<compile_context>
chip_gen: v7x
topology: tpu7x:2x2x1
jax: 0.10.2.dev20260603
libtpu: 0.0.44.dev20260713+nightly
codegen_flags: <defaults>
</compile_context>

<pallas_src>
import functools

import jax
import jax.numpy as jnp
from jax import lax
from jax.experimental import pallas as pl
from jax.experimental.pallas import tpu as pltpu
from jax.experimental.pallas import tpu_sc as plsc

_NC = 2
_NS = 16
_NW = _NC * _NS


def _sc_gather(table, idx, chunk=2560):
    n = idx.shape[0]
    d = table.shape[1]
    bpw = n // _NW
    nchunks = bpw // chunk
    assert bpw % chunk == 0 and bpw % 8 == 0

    mesh = plsc.VectorSubcoreMesh(core_axis_name="c", subcore_axis_name="s")

    @functools.partial(
        pl.kernel,
        mesh=mesh,
        compiler_params=pltpu.CompilerParams(use_tc_tiling_on_sc=False),
        out_type=jax.ShapeDtypeStruct((n, d), jnp.float32),
        scratch_types=[
            pltpu.VMEM((chunk,), jnp.int32),
            pltpu.VMEM((chunk, d), jnp.float32),
            pltpu.SemaphoreType.DMA,
        ],
    )
    def k(table_hbm, idx_hbm, out_hbm, idx_v, rows_v, sem):
        wid = lax.axis_index("s") * _NC + lax.axis_index("c")
        base = wid * bpw
        for j in range(nchunks):
            off = base + j * chunk
            pltpu.sync_copy(idx_hbm.at[pl.ds(off, chunk)], idx_v)
            pltpu.async_copy(table_hbm.at[idx_v], rows_v, sem).wait()
            pltpu.sync_copy(rows_v, out_hbm.at[pl.ds(off, chunk)])

    return k(table, idx)


def _tc_transform_t(emb4, wt, bt, gt, bet, t, bsz):
    q = bsz // 4
    o = wt.shape[0]

    def body(e_ref, wt_ref, b_ref, g_ref, be_ref, out_ref):
        x4 = e_ref[0]
        for k in range(4):
            xk = x4[:, 32 * k:32 * (k + 1)]
            hk = lax.dot_general(
                wt_ref[...], xk, (((1,), (1,)), ((), ())),
                preferred_element_type=jnp.float32) + b_ref[...]
            mu = jnp.mean(hk, axis=0, keepdims=True)
            hc = hk - mu
            var = jnp.mean(hc * hc, axis=0, keepdims=True)
            out_ref[0, :, q * k:q * (k + 1)] = (
                hc * lax.rsqrt(var + 1e-5) * g_ref[...] + be_ref[...])

    return pl.pallas_call(
        body,
        grid=(t,),
        in_specs=[
            pl.BlockSpec((1, q, 128), lambda i: (i, 0, 0)),
            pl.BlockSpec((o, 32), lambda i: (0, 0)),
            pl.BlockSpec((o, 1), lambda i: (0, 0)),
            pl.BlockSpec((o, 1), lambda i: (0, 0)),
            pl.BlockSpec((o, 1), lambda i: (0, 0)),
        ],
        out_specs=pl.BlockSpec((1, o, bsz), lambda i: (i, 0, 0)),
        out_shape=jax.ShapeDtypeStruct((t, o, bsz), jnp.float32),
    )(emb4, wt, bt, gt, bet)


def kernel(texts, table, W, b, gamma, beta):
    bsz, t = texts.shape
    o = W.shape[1]
    q = bsz // 4
    idx = jnp.transpose(texts.reshape(4, q, t), (2, 1, 0)).reshape(-1)
    emb = _sc_gather(table, idx)
    emb4 = emb.reshape(t, q, 128)
    wt = jnp.transpose(W)
    out_t = _tc_transform_t(emb4, wt, b.reshape(o, 1), gamma.reshape(o, 1),
                            beta.reshape(o, 1), t, bsz)
    return jnp.transpose(out_t, (2, 0, 1))

# --- scband reference (transcript-rebuilt; emitter-appended) ---
"""Pipeline reference for scband-simple-text-encoder-17008070492211 (READ-ONLY COPY).

The authoritative reference and input builder live on the scoring server;
editing this copy changes nothing except your own understanding.
"""

import jax, jax.numpy as jnp
import numpy as np

VOCAB = 1000000
EMBED = 32
OUT = 64
B = 16384
T = 50

def setup_inputs(seed: int = 0) -> dict:
    key = jax.random.key(seed)
    k1, k2, k3 = jax.random.split(key, 3)
    ids = jax.random.randint(k1, (B, T), 0, VOCAB)
    table = jax.random.normal(k2, (VOCAB, EMBED), dtype=jnp.float32) * 0.02
    table = table.at[0].set(0.0)  # padding_idx=0
    W = jax.random.normal(k3, (EMBED, OUT), dtype=jnp.float32) * 0.05
    b = jnp.zeros((OUT,), dtype=jnp.float32)
    gamma = jnp.ones((OUT,), dtype=jnp.float32)
    beta = jnp.zeros((OUT,), dtype=jnp.float32)
    return {"texts": ids, "table": table, "W": W, "b": b, "gamma": gamma, "beta": beta}

def reference(texts, table, W, b, gamma, beta):
    # embedding lookup with padding_idx=0 (row 0 forced to zero)
    tbl = table.at[0].set(0.0)
    emb = jnp.take(tbl, texts, axis=0)            # (B, T, EMBED)
    h = emb @ W + b                                # Linear
    mu = jnp.mean(h, axis=-1, keepdims=True)       # LayerNorm
    var = jnp.var(h, axis=-1, keepdims=True)
    hn = (h - mu) / jnp.sqrt(var + 1e-5)
    return hn * gamma + beta                       # (B, T, OUT)

if __name__ == "__main__":
    import jax
    _d = setup_inputs()
    print(jax.jit(kernel)(*tuple(_d.values())))

</pallas_src>

<mosaic_0001>
#map = affine_map<(d0, d1) -> (0, 0)>
#map1 = affine_map<(d0, d1) -> (0)>
module attributes {stable_mosaic.version = 14 : i64} {
  func.func @k(%arg0: i32, %arg1: i32, %arg2: memref<1000000x32xf32, #tpu.memory_space<hbm>>, %arg3: memref<819200xi32, #tpu.memory_space<hbm>>, %arg4: memref<819200x32xf32, #tpu.memory_space<hbm>>, %arg5: memref<2560xi32, #tpu.memory_space<vmem>>, %arg6: memref<2560x32xf32, #tpu.memory_space<vmem>>, %arg7: memref<!tpu.dma_semaphore, #tpu.memory_space<semaphore_mem>>) attributes {dimension_semantics = [#tpu.dimension_semantics<core_parallel>, #tpu.dimension_semantics<subcore_parallel>], iteration_bounds = array<i64: 2, 16>, scalar_prefetch = 0 : i64, scratch_operands = 3 : i64, tpu.core_type = #tpu.core_type<sc_vector_subcore>, window_params = [{transform_indices = #map}, {transform_indices = #map1}, {transform_indices = #map}]} {
    %mul3A = arith.constant 2 : i32
    %mul3A_0 = arith.muli %arg1, %mul3A : i32
    %add3A = arith.addi %mul3A_0, %arg0 : i32
    %mul3A_1 = arith.constant 25600 : i32
    %mul3A_2 = arith.muli %add3A, %mul3A_1 : i32
    %add3A_3 = arith.constant 0 : i32
    %add3A_4 = arith.addi %mul3A_2, %add3A_3 : i32
    "tpu.region"() ({
      %run_scoped3A = tpu.sem_alloc : memref<!tpu.dma_semaphore, #tpu.memory_space<semaphore_mem>>
      %dma_start3A_81 = tpu.memref_slice %arg3[%add3A_4] : memref<819200xi32, #tpu.memory_space<hbm>> -> memref<2560xi32, #tpu.memory_space<hbm>>
      %dma_start3A_82 = tpu.memref_slice %arg3[%add3A_4] : memref<819200xi32, #tpu.memory_space<hbm>> -> memref<2560xi32, #tpu.memory_space<hbm>>
      tpu.enqueue_dma source(%dma_start3A_82 : memref<2560xi32, #tpu.memory_space<hbm>>) target(%arg5 : memref<2560xi32, #tpu.memory_space<vmem>>) target_semaphore(%run_scoped3A : memref<!tpu.dma_semaphore, #tpu.memory_space<semaphore_mem>>)
      %dma_wait3A_83 = tpu.memref_slice %arg3[%add3A_4] : memref<819200xi32, #tpu.memory_space<hbm>> -> memref<2560xi32, #tpu.memory_space<hbm>>
      %dma_wait3A_84 = tpu.memref_slice %arg3[%add3A_4] : memref<819200xi32, #tpu.memory_space<hbm>> -> memref<2560xi32, #tpu.memory_space<hbm>>
      tpu.wait_dma2 semaphore(%run_scoped3A : memref<!tpu.dma_semaphore, #tpu.memory_space<semaphore_mem>>) src(%dma_wait3A_84 : memref<2560xi32, #tpu.memory_space<hbm>>) dst(%arg5 : memref<2560xi32, #tpu.memory_space<vmem>>)
      tpu.yield
    }) : () -> ()
    %dma_start3A = arith.constant 0 : i32
    %dma_start3A_5 = arith.constant 0 : i32
    %dma_start3A_6 = tpu.memref_slice %arg2[%dma_start3A, %dma_start3A_5] : memref<1000000x32xf32, #tpu.memory_space<hbm>> -> memref<1000000x32xf32, #tpu.memory_space<hbm>>
    tpu.enqueue_indirect_dma source(%dma_start3A_6 : memref<1000000x32xf32, #tpu.memory_space<hbm>>) target(%arg6 : memref<2560x32xf32, #tpu.memory_space<vmem>>) offsets(%arg5 : memref<2560xi32, #tpu.memory_space<vmem>>) semaphore(%arg7 : memref<!tpu.dma_semaphore, #tpu.memory_space<semaphore_mem>>)
    %dma_wait3A = arith.constant 0 : i32
    %dma_wait3A_7 = arith.constant 0 : i32
    %dma_wait3A_8 = tpu.memref_slice %arg2[%dma_wait3A, %dma_wait3A_7] : memref<1000000x32xf32, #tpu.memory_space<hbm>> -> memref<1000000x32xf32, #tpu.memory_space<hbm>>
    tpu.wait_indirect_dma semaphore(%arg7 : memref<!tpu.dma_semaphore, #tpu.memory_space<semaphore_mem>>) src(%dma_wait3A_8 : memref<1000000x32xf32, #tpu.memory_space<hbm>>) dst(%arg6 : memref<2560x32xf32, #tpu.memory_space<vmem>>)
    "tpu.region"() ({
      %run_scoped3A = tpu.sem_alloc : memref<!tpu.dma_semaphore, #tpu.memory_space<semaphore_mem>>
      %dma_start3A_81 = arith.constant 0 : i32
      %dma_start3A_82 = tpu.memref_slice %arg4[%add3A_4, %dma_start3A_81] : memref<819200x32xf32, #tpu.memory_space<hbm>> -> memref<2560x32xf32, #tpu.memory_space<hbm>>
      %dma_start3A_83 = arith.constant 0 : i32
      %dma_start3A_84 = tpu.memref_slice %arg4[%add3A_4, %dma_start3A_83] : memref<819200x32xf32, #tpu.memory_space<hbm>> -> memref<2560x32xf32, #tpu.memory_space<hbm>>
      tpu.enqueue_dma source(%arg6 : memref<2560x32xf32, #tpu.memory_space<vmem>>) target(%dma_start3A_84 : memref<2560x32xf32, #tpu.memory_space<hbm>>) target_semaphore(%run_scoped3A : memref<!tpu.dma_semaphore, #tpu.memory_space<semaphore_mem>>)
      %dma_wait3A_85 = arith.constant 0 : i32
      %dma_wait3A_86 = tpu.memref_slice %arg4[%add3A_4, %dma_wait3A_85] : memref<819200x32xf32, #tpu.memory_space<hbm>> -> memref<2560x32xf32, #tpu.memory_space<hbm>>
      %dma_wait3A_87 = arith.constant 0 : i32
      %dma_wait3A_88 = tpu.memref_slice %arg4[%add3A_4, %dma_wait3A_87] : memref<819200x32xf32, #tpu.memory_space<hbm>> -> memref<2560x32xf32, #tpu.memory_space<hbm>>
      tpu.wait_dma2 semaphore(%run_scoped3A : memref<!tpu.dma_semaphore, #tpu.memory_space<semaphore_mem>>) src(%arg6 : memref<2560x32xf32, #tpu.memory_space<vmem>>) dst(%dma_wait3A_88 : memref<2560x32xf32, #tpu.memory_space<hbm>>)
      tpu.yield
    }) : () -> ()
    %add3A_9 = arith.constant 2560 : i32
    %add3A_10 = arith.addi %mul3A_2, %add3A_9 : i32
    "tpu.region"() ({
      %run_scoped3A = tpu.sem_alloc : memref<!tpu.dma_semaphore, #tpu.memory_space<semaphore_mem>>
      %dma_start3A_81 = tpu.memref_slice %arg3[%add3A_10] : memref<819200xi32, #tpu.memory_space<hbm>> -> memref<2560xi32, #tpu.memory_space<hbm>>
      %dma_start3A_82 = tpu.memref_slice %arg3[%add3A_10] : memref<819200xi32, #tpu.memory_space<hbm>> -> memref<2560xi32, #tpu.memory_space<hbm>>
      tpu.enqueue_dma source(%dma_start3A_82 : memref<2560xi32, #tpu.memory_space<hbm>>) target(%arg5 : memref<2560xi32, #tpu.memory_space<vmem>>) target_semaphore(%run_scoped3A : memref<!tpu.dma_semaphore, #tpu.memory_space<semaphore_mem>>)
      %dma_wait3A_83 = tpu.memref_slice %arg3[%add3A_10] : memref<819200xi32, #tpu.memory_space<hbm>> -> memref<2560xi32, #tpu.memory_space<hbm>>
      %dma_wait3A_84 = tpu.memref_slice %arg3[%add3A_10] : memref<819200xi32, #tpu.memory_space<hbm>> -> memref<2560xi32, #tpu.memory_space<hbm>>
      tpu.wait_dma2 semaphore(%run_scoped3A : memref<!tpu.dma_semaphore, #tpu.memory_space<semaphore_mem>>) src(%dma_wait3A_84 : memref<2560xi32, #tpu.memory_space<hbm>>) dst(%arg5 : memref<2560xi32, #tpu.memory_space<vmem>>)
      tpu.yield
    }) : () -> ()
    %dma_start3A_11 = arith.constant 0 : i32
    %dma_start3A_12 = arith.constant 0 : i32
    %dma_start3A_13 = tpu.memref_slice %arg2[%dma_start3A_11, %dma_start3A_12] : memref<1000000x32xf32, #tpu.memory_space<hbm>> -> memref<1000000x32xf32, #tpu.memory_space<hbm>>
    tpu.enqueue_indirect_dma source(%dma_start3A_13 : memref<1000000x32xf32, #tpu.memory_space<hbm>>) target(%arg6 : memref<2560x32xf32, #tpu.memory_space<vmem>>) offsets(%arg5 : memref<2560xi32, #tpu.memory_space<vmem>>) semaphore(%arg7 : memref<!tpu.dma_semaphore, #tpu.memory_space<semaphore_mem>>)
    %dma_wait3A_14 = arith.constant 0 : i32
    %dma_wait3A_15 = arith.constant 0 : i32
    %dma_wait3A_16 = tpu.memref_slice %arg2[%dma_wait3A_14, %dma_wait3A_15] : memref<1000000x32xf32, #tpu.memory_space<hbm>> -> memref<1000000x32xf32, #tpu.memory_space<hbm>>
    tpu.wait_indirect_dma semaphore(%arg7 : memref<!tpu.dma_semaphore, #tpu.memory_space<semaphore_mem>>) src(%dma_wait3A_16 : memref<1000000x32xf32, #tpu.memory_space<hbm>>) dst(%arg6 : memref<2560x32xf32, #tpu.memory_space<vmem>>)
    "tpu.region"() ({
      %run_scoped3A = tpu.sem_alloc : memref<!tpu.dma_semaphore, #tpu.memory_space<semaphore_mem>>
      %dma_start3A_81 = arith.constant 0 : i32
      %dma_start3A_82 = tpu.memref_slice %arg4[%add3A_10, %dma_start3A_81] : memref<819200x32xf32, #tpu.memory_space<hbm>> -> memref<2560x32xf32, #tpu.memory_space<hbm>>
      %dma_start3A_83 = arith.constant 0 : i32
      %dma_start3A_84 = tpu.memref_slice %arg4[%add3A_10, %dma_start3A_83] : memref<819200x32xf32, #tpu.memory_space<hbm>> -> memref<2560x32xf32, #tpu.memory_space<hbm>>
      tpu.enqueue_dma source(%arg6 : memref<2560x32xf32, #tpu.memory_space<vmem>>) target(%dma_start3A_84 : memref<2560x32xf32, #tpu.memory_space<hbm>>) target_semaphore(%run_scoped3A : memref<!tpu.dma_semaphore, #tpu.memory_space<semaphore_mem>>)
      %dma_wait3A_85 = arith.constant 0 : i32
      %dma_wait3A_86 = tpu.memref_slice %arg4[%add3A_10, %dma_wait3A_85] : memref<819200x32xf32, #tpu.memory_space<hbm>> -> memref<2560x32xf32, #tpu.memory_space<hbm>>
      %dma_wait3A_87 = arith.constant 0 : i32
      %dma_wait3A_88 = tpu.memref_slice %arg4[%add3A_10, %dma_wait3A_87] : memref<819200x32xf32, #tpu.memory_space<hbm>> -> memref<2560x32xf32, #tpu.memory_space<hbm>>
      tpu.wait_dma2 semaphore(%run_scoped3A : memref<!tpu.dma_semaphore, #tpu.memory_space<semaphore_mem>>) src(%arg6 : memref<2560x32xf32, #tpu.memory_space<vmem>>) dst(%dma_wait3A_88 : memref<2560x32xf32, #tpu.memory_space<hbm>>)
      tpu.yield
    }) : () -> ()
    %add3A_17 = arith.constant 5120 : i32
    %add3A_18 = arith.addi %mul3A_2, %add3A_17 : i32
    "tpu.region"() ({
      %run_scoped3A = tpu.sem_alloc : memref<!tpu.dma_semaphore, #tpu.memory_space<semaphore_mem>>
      %dma_start3A_81 = tpu.memref_slice %arg3[%add3A_18] : memref<819200xi32, #tpu.memory_space<hbm>> -> memref<2560xi32, #tpu.memory_space<hbm>>
      %dma_start3A_82 = tpu.memref_slice %arg3[%add3A_18] : memref<819200xi32, #tpu.memory_space<hbm>> -> memref<2560xi32, #tpu.memory_space<hbm>>
      tpu.enqueue_dma source(%dma_start3A_82 : memref<2560xi32, #tpu.memory_space<hbm>>) target(%arg5 : memref<2560xi32, #tpu.memory_space<vmem>>) target_semaphore(%run_scoped3A : memref<!tpu.dma_semaphore, #tpu.memory_space<semaphore_mem>>)
      %dma_wait3A_83 = tpu.memref_slice %arg3[%add3A_18] : memref<819200xi32, #tpu.memory_space<hbm>> -> memref<2560xi32, #tpu.memory_space<hbm>>
      %dma_wait3A_84 = tpu.memref_slice %arg3[%add3A_18] : memref<819200xi32, #tpu.memory_space<hbm>> -> memref<2560xi32, #tpu.memory_space<hbm>>
      tpu.wait_dma2 semaphore(%run_scoped3A : memref<!tpu.dma_semaphore, #tpu.memory_space<semaphore_mem>>) src(%dma_wait3A_84 : memref<2560xi32, #tpu.memory_space<hbm>>) dst(%arg5 : memref<2560xi32, #tpu.memory_space<vmem>>)
      tpu.yield
    }) : () -> ()
    %dma_start3A_19 = arith.constant 0 : i32
    %dma_start3A_20 = arith.constant 0 : i32
    %dma_start3A_21 = tpu.memref_slice %arg2[%dma_start3A_19, %dma_start3A_20] : memref<1000000x32xf32, #tpu.memory_space<hbm>> -> memref<1000000x32xf32, #tpu.memory_space<hbm>>
    tpu.enqueue_indirect_dma source(%dma_start3A_21 : memref<1000000x32xf32, #tpu.memory_space<hbm>>) target(%arg6 : memref<2560x32xf32, #tpu.memory_space<vmem>>) offsets(%arg5 : memref<2560xi32, #tpu.memory_space<vmem>>) semaphore(%arg7 : memref<!tpu.dma_semaphore, #tpu.memory_space<semaphore_mem>>)
    %dma_wait3A_22 = arith.constant 0 : i32
    %dma_wait3A_23 = arith.constant 0 : i32
    %dma_wait3A_24 = tpu.memref_slice %arg2[%dma_wait3A_22, %dma_wait3A_23] : memref<1000000x32xf32, #tpu.memory_space<hbm>> -> memref<1000000x32xf32, #tpu.memory_space<hbm>>
    tpu.wait_indirect_dma semaphore(%arg7 : memref<!tpu.dma_semaphore, #tpu.memory_space<semaphore_mem>>) src(%dma_wait3A_24 : memref<1000000x32xf32, #tpu.memory_space<hbm>>) dst(%arg6 : memref<2560x32xf32, #tpu.memory_space<vmem>>)
    "tpu.region"() ({
      %run_scoped3A = tpu.sem_alloc : memref<!tpu.dma_semaphore, #tpu.memory_space<semaphore_mem>>
      %dma_start3A_81 = arith.constant 0 : i32
      %dma_start3A_82 = tpu.memref_slice %arg4[%add3A_18, %dma_start3A_81] : memref<819200x32xf32, #tpu.memory_space<hbm>> -> memref<2560x32xf32, #tpu.memory_space<hbm>>
      %dma_start3A_83 = arith.constant 0 : i32
      %dma_start3A_84 = tpu.memref_slice %arg4[%add3A_18, %dma_start3A_83] : memref<819200x32xf32, #tpu.memory_space<hbm>> -> memref<2560x32xf32, #tpu.memory_space<hbm>>
      tpu.enqueue_dma source(%arg6 : memref<2560x32xf32, #tpu.memory_space<vmem>>) target(%dma_start3A_84 : memref<2560x32xf32, #tpu.memory_space<hbm>>) target_semaphore(%run_scoped3A : memref<!tpu.dma_semaphore, #tpu.memory_space<semaphore_mem>>)
      %dma_wait3A_85 = arith.constant 0 : i32
      %dma_wait3A_86 = tpu.memref_slice %arg4[%add3A_18, %dma_wait3A_85] : memref<819200x32xf32, #tpu.memory_space<hbm>> -> memref<2560x32xf32, #tpu.memory_space<hbm>>
      %dma_wait3A_87 = arith.constant 0 : i32
      %dma_wait3A_88 = tpu.memref_slice %arg4[%add3A_18, %dma_wait3A_87] : memref<819200x32xf32, #tpu.memory_space<hbm>> -> memref<2560x32xf32, #tpu.memory_space<hbm>>
      tpu.wait_dma2 semaphore(%run_scoped3A : memref<!tpu.dma_semaphore, #tpu.memory_space<semaphore_mem>>) src(%arg6 : memref<2560x32xf32, #tpu.memory_space<vmem>>) dst(%dma_wait3A_88 : memref<2560x32xf32, #tpu.memory_space<hbm>>)
      tpu.yield
    }) : () -> ()
    %add3A_25 = arith.constant 7680 : i32
    %add3A_26 = arith.addi %mul3A_2, %add3A_25 : i32
    "tpu.region"() ({
      %run_scoped3A = tpu.sem_alloc : memref<!tpu.dma_semaphore, #tpu.memory_space<semaphore_mem>>
      %dma_start3A_81 = tpu.memref_slice %arg3[%add3A_26] : memref<819200xi32, #tpu.memory_space<hbm>> -> memref<2560xi32, #tpu.memory_space<hbm>>
      %dma_start3A_82 = tpu.memref_slice %arg3[%add3A_26] : memref<819200xi32, #tpu.memory_space<hbm>> -> memref<2560xi32, #tpu.memory_space<hbm>>
      tpu.enqueue_dma source(%dma_start3A_82 : memref<2560xi32, #tpu.memory_space<hbm>>) target(%arg5 : memref<2560xi32, #tpu.memory_space<vmem>>) target_semaphore(%run_scoped3A : memref<!tpu.dma_semaphore, #tpu.memory_space<semaphore_mem>>)
      %dma_wait3A_83 = tpu.memref_slice %arg3[%add3A_26] : memref<819200xi32, #tpu.memory_space<hbm>> -> memref<2560xi32, #tpu.memory_space<hbm>>
      %dma_wait3A_84 = tpu.memref_slice %arg3[%add3A_26] : memref<819200xi32, #tpu.memory_space<hbm>> -> memref<2560xi32, #tpu.memory_space<hbm>>
      tpu.wait_dma2 semaphore(%run_scoped3A : memref<!tpu.dma_semaphore, #tpu.memory_space<semaphore_mem>>) src(%dma_wait3A_84 : memref<2560xi32, #tpu.memory_space<hbm>>) dst(%arg5 : memref<2560xi32, #tpu.memory_space<vmem>>)
      tpu.yield
    }) : () -> ()
    %dma_start3A_27 = arith.constant 0 : i32
    %dma_start3A_28 = arith.constant 0 : i32
    %dma_start3A_29 = tpu.memref_slice %arg2[%dma_start3A_27, %dma_start3A_28] : memref<1000000x32xf32, #tpu.memory_space<hbm>> -> memref<1000000x32xf32, #tpu.memory_space<hbm>>
    tpu.enqueue_indirect_dma source(%dma_start3A_29 : memref<1000000x32xf32, #tpu.memory_space<hbm>>) target(%arg6 : memref<2560x32xf32, #tpu.memory_space<vmem>>) offsets(%arg5 : memref<2560xi32, #tpu.memory_space<vmem>>) semaphore(%arg7 : memref<!tpu.dma_semaphore, #tpu.memory_space<semaphore_mem>>)
    %dma_wait3A_30 = arith.constant 0 : i32
    %dma_wait3A_31 = arith.constant 0 : i32
    %dma_wait3A_32 = tpu.memref_slice %arg2[%dma_wait3A_30, %dma_wait3A_31] : memref<1000000x32xf32, #tpu.memory_space<hbm>> -> memref<1000000x32xf32, #tpu.memory_space<hbm>>
    tpu.wait_indirect_dma semaphore(%arg7 : memref<!tpu.dma_semaphore, #tpu.memory_space<semaphore_mem>>) src(%dma_wait3A_32 : memref<1000000x32xf32, #tpu.memory_space<hbm>>) dst(%arg6 : memref<2560x32xf32, #tpu.memory_space<vmem>>)
    "tpu.region"() ({
      %run_scoped3A = tpu.sem_alloc : memref<!tpu.dma_semaphore, #tpu.memory_space<semaphore_mem>>
      %dma_start3A_81 = arith.constant 0 : i32
      %dma_start3A_82 = tpu.memref_slice %arg4[%add3A_26, %dma_start3A_81] : memref<819200x32xf32, #tpu.memory_space<hbm>> -> memref<2560x32xf32, #tpu.memory_space<hbm>>
      %dma_start3A_83 = arith.constant 0 : i32
      %dma_start3A_84 = tpu.memref_slice %arg4[%add3A_26, %dma_start3A_83] : memref<819200x32xf32, #tpu.memory_space<hbm>> -> memref<2560x32xf32, #tpu.memory_space<hbm>>
      tpu.enqueue_dma source(%arg6 : memref<2560x32xf32, #tpu.memory_space<vmem>>) target(%dma_start3A_84 : memref<2560x32xf32, #tpu.memory_space<hbm>>) target_semaphore(%run_scoped3A : memref<!tpu.dma_semaphore, #tpu.memory_space<semaphore_mem>>)
      %dma_wait3A_85 = arith.constant 0 : i32
      %dma_wait3A_86 = tpu.memref_slice %arg4[%add3A_26, %dma_wait3A_85] : memref<819200x32xf32, #tpu.memory_space<hbm>> -> memref<2560x32xf32, #tpu.memory_space<hbm>>
      %dma_wait3A_87 = arith.constant 0 : i32
      %dma_wait3A_88 = tpu.memref_slice %arg4[%add3A_26, %dma_wait3A_87] : memref<819200x32xf32, #tpu.memory_space<hbm>> -> memref<2560x32xf32, #tpu.memory_space<hbm>>
      tpu.wait_dma2 semaphore(%run_scoped3A : memref<!tpu.dma_semaphore, #tpu.memory_space<semaphore_mem>>) src(%arg6 : memref<2560x32xf32, #tpu.memory_space<vmem>>) dst(%dma_wait3A_88 : memref<2560x32xf32, #tpu.memory_space<hbm>>)
      tpu.yield
    }) : () -> ()
    %add3A_33 = arith.constant 10240 : i32
    %add3A_34 = arith.addi %mul3A_2, %add3A_33 : i32
    "tpu.region"() ({
      %run_scoped3A = tpu.sem_alloc : memref<!tpu.dma_semaphore, #tpu.memory_space<semaphore_mem>>
      %dma_start3A_81 = tpu.memref_slice %arg3[%add3A_34] : memref<819200xi32, #tpu.memory_space<hbm>> -> memref<2560xi32, #tpu.memory_space<hbm>>
      %dma_start3A_82 = tpu.memref_slice %arg3[%add3A_34] : memref<819200xi32, #tpu.memory_space<hbm>> -> memref<2560xi32, #tpu.memory_space<hbm>>
      tpu.enqueue_dma source(%dma_start3A_82 : memref<2560xi32, #tpu.memory_space<hbm>>) target(%arg5 : memref<2560xi32, #tpu.memory_space<vmem>>) target_semaphore(%run_scoped3A : memref<!tpu.dma_semaphore, #tpu.memory_space<semaphore_mem>>)
      %dma_wait3A_83 = tpu.memref_slice %arg3[%add3A_34] : memref<819200xi32, #tpu.memory_space<hbm>> -> memref<2560xi32, #tpu.memory_space<hbm>>
      %dma_wait3A_84 = tpu.memref_slice %arg3[%add3A_34] : memref<819200xi32, #tpu.memory_space<hbm>> -> memref<2560xi32, #tpu.memory_space<hbm>>
      tpu.wait_dma2 semaphore(%run_scoped3A : memref<!tpu.dma_semaphore, #tpu.memory_space<semaphore_mem>>) src(%dma_wait3A_84 : memref<2560xi32, #tpu.memory_space<hbm>>) dst(%arg5 : memref<2560xi32, #tpu.memory_space<vmem>>)
      tpu.yield
    }) : () -> ()
    %dma_start3A_35 = arith.constant 0 : i32
    %dma_start3A_36 = arith.constant 0 : i32
    %dma_start3A_37 = tpu.memref_slice %arg2[%dma_start3A_35, %dma_start3A_36] : memref<1000000x32xf32, #tpu.memory_space<hbm>> -> memref<1000000x32xf32, #tpu.memory_space<hbm>>
    tpu.enqueue_indirect_dma source(%dma_start3A_37 : memref<1000000x32xf32, #tpu.memory_space<hbm>>) target(%arg6 : memref<2560x32xf32, #tpu.memory_space<vmem>>) offsets(%arg5 : memref<2560xi32, #tpu.memory_space<vmem>>) semaphore(%arg7 : memref<!tpu.dma_semaphore, #tpu.memory_space<semaphore_mem>>)
    %dma_wait3A_38 = arith.constant 0 : i32
    %dma_wait3A_39 = arith.constant 0 : i32
    %dma_wait3A_40 = tpu.memref_slice %arg2[%dma_wait3A_38, %dma_wait3A_39] : memref<1000000x32xf32, #tpu.memory_space<hbm>> -> memref<1000000x32xf32, #tpu.memory_space<hbm>>
    tpu.wait_indirect_dma semaphore(%arg7 : memref<!tpu.dma_semaphore, #tpu.memory_space<semaphore_mem>>) src(%dma_wait3A_40 : memref<1000000x32xf32, #tpu.memory_space<hbm>>) dst(%arg6 : memref<2560x32xf32, #tpu.memory_space<vmem>>)
    "tpu.region"() ({
      %run_scoped3A = tpu.sem_alloc : memref<!tpu.dma_semaphore, #tpu.memory_space<semaphore_mem>>
      %dma_start3A_81 = arith.constant 0 : i32
      %dma_start3A_82 = tpu.memref_slice %arg4[%add3A_34, %dma_start3A_81] : memref<819200x32xf32, #tpu.memory_space<hbm>> -> memref<2560x32xf32, #tpu.memory_space<hbm>>
      %dma_start3A_83 = arith.constant 0 : i32
      %dma_start3A_84 = tpu.memref_slice %arg4[%add3A_34, %dma_start3A_83] : memref<819200x32xf32, #tpu.memory_space<hbm>> -> memref<2560x32xf32, #tpu.memory_space<hbm>>
      tpu.enqueue_dma source(%arg6 : memref<2560x32xf32, #tpu.memory_space<vmem>>) target(%dma_start3A_84 : memref<2560x32xf32, #tpu.memory_space<hbm>>) target_semaphore(%run_scoped3A : memref<!tpu.dma_semaphore, #tpu.memory_space<semaphore_mem>>)
      %dma_wait3A_85 = arith.constant 0 : i32
      %dma_wait3A_86 = tpu.memref_slice %arg4[%add3A_34, %dma_wait3A_85] : memref<819200x32xf32, #tpu.memory_space<hbm>> -> memref<2560x32xf32, #tpu.memory_space<hbm>>
      %dma_wait3A_87 = arith.constant 0 : i32
      %dma_wait3A_88 = tpu.memref_slice %arg4[%add3A_34, %dma_wait3A_87] : memref<819200x32xf32, #tpu.memory_space<hbm>> -> memref<2560x32xf32, #tpu.memory_space<hbm>>
      tpu.wait_dma2 semaphore(%run_scoped3A : memref<!tpu.dma_semaphore, #tpu.memory_space<semaphore_mem>>) src(%arg6 : memref<2560x32xf32, #tpu.memory_space<vmem>>) dst(%dma_wait3A_88 : memref<2560x32xf32, #tpu.memory_space<hbm>>)
      tpu.yield
    }) : () -> ()
    %add3A_41 = arith.constant 12800 : i32
    %add3A_42 = arith.addi %mul3A_2, %add3A_41 : i32
    "tpu.region"() ({
      %run_scoped3A = tpu.sem_alloc : memref<!tpu.dma_semaphore, #tpu.memory_space<semaphore_mem>>
      %dma_start3A_81 = tpu.memref_slice %arg3[%add3A_42] : memref<819200xi32, #tpu.memory_space<hbm>> -> memref<2560xi32, #tpu.memory_space<hbm>>
      %dma_start3A_82 = tpu.memref_slice %arg3[%add3A_42] : memref<819200xi32, #tpu.memory_space<hbm>> -> memref<2560xi32, #tpu.memory_space<hbm>>
      tpu.enqueue_dma source(%dma_start3A_82 : memref<2560xi32, #tpu.memory_space<hbm>>) target(%arg5 : memref<2560xi32, #tpu.memory_space<vmem>>) target_semaphore(%run_scoped3A : memref<!tpu.dma_semaphore, #tpu.memory_space<semaphore_mem>>)
      %dma_wait3A_83 = tpu.memref_slice %arg3[%add3A_42] : memref<819200xi32, #tpu.memory_space<hbm>> -> memref<2560xi32, #tpu.memory_space<hbm>>
      %dma_wait3A_84 = tpu.memref_slice %arg3[%add3A_42] : memref<819200xi32, #tpu.memory_space<hbm>> -> memref<2560xi32, #tpu.memory_space<hbm>>
      tpu.wait_dma2 semaphore(%run_scoped3A : memref<!tpu.dma_semaphore, #tpu.memory_space<semaphore_mem>>) src(%dma_wait3A_84 : memref<2560xi32, #tpu.memory_space<hbm>>) dst(%arg5 : memref<2560xi32, #tpu.memory_space<vmem>>)
      tpu.yield
    }) : () -> ()
    %dma_start3A_43 = arith.constant 0 : i32
    %dma_start3A_44 = arith.constant 0 : i32
    %dma_start3A_45 = tpu.memref_slice %arg2[%dma_start3A_43, %dma_start3A_44] : memref<1000000x32xf32, #tpu.memory_space<hbm>> -> memref<1000000x32xf32, #tpu.memory_space<hbm>>
    tpu.enqueue_indirect_dma source(%dma_start3A_45 : memref<1000000x32xf32, #tpu.memory_space<hbm>>) target(%arg6 : memref<2560x32xf32, #tpu.memory_space<vmem>>) offsets(%arg5 : memref<2560xi32, #tpu.memory_space<vmem>>) semaphore(%arg7 : memref<!tpu.dma_semaphore, #tpu.memory_space<semaphore_mem>>)
    %dma_wait3A_46 = arith.constant 0 : i32
    %dma_wait3A_47 = arith.constant 0 : i32
    %dma_wait3A_48 = tpu.memref_slice %arg2[%dma_wait3A_46, %dma_wait3A_47] : memref<1000000x32xf32, #tpu.memory_space<hbm>> -> memref<1000000x32xf32, #tpu.memory_space<hbm>>
    tpu.wait_indirect_dma semaphore(%arg7 : memref<!tpu.dma_semaphore, #tpu.memory_space<semaphore_mem>>) src(%dma_wait3A_48 : memref<1000000x32xf32, #tpu.memory_space<hbm>>) dst(%arg6 : memref<2560x32xf32, #tpu.memory_space<vmem>>)
    "tpu.region"() ({
      %run_scoped3A = tpu.sem_alloc : memref<!tpu.dma_semaphore, #tpu.memory_space<semaphore_mem>>
      %dma_start3A_81 = arith.constant 0 : i32
      %dma_start3A_82 = tpu.memref_slice %arg4[%add3A_42, %dma_start3A_81] : memref<819200x32xf32, #tpu.memory_space<hbm>> -> memref<2560x32xf32, #tpu.memory_space<hbm>>
      %dma_start3A_83 = arith.constant 0 : i32
      %dma_start3A_84 = tpu.memref_slice %arg4[%add3A_42, %dma_start3A_83] : memref<819200x32xf32, #tpu.memory_space<hbm>> -> memref<2560x32xf32, #tpu.memory_space<hbm>>
      tpu.enqueue_dma source(%arg6 : memref<2560x32xf32, #tpu.memory_space<vmem>>) target(%dma_start3A_84 : memref<2560x32xf32, #tpu.memory_space<hbm>>) target_semaphore(%run_scoped3A : memref<!tpu.dma_semaphore, #tpu.memory_space<semaphore_mem>>)
      %dma_wait3A_85 = arith.constant 0 : i32
      %dma_wait3A_86 = tpu.memref_slice %arg4[%add3A_42, %dma_wait3A_85] : memref<819200x32xf32, #tpu.memory_space<hbm>> -> memref<2560x32xf32, #tpu.memory_space<hbm>>
      %dma_wait3A_87 = arith.constant 0 : i32
      %dma_wait3A_88 = tpu.memref_slice %arg4[%add3A_42, %dma_wait3A_87] : memref<819200x32xf32, #tpu.memory_space<hbm>> -> memref<2560x32xf32, #tpu.memory_space<hbm>>
      tpu.wait_dma2 semaphore(%run_scoped3A : memref<!tpu.dma_semaphore, #tpu.memory_space<semaphore_mem>>) src(%arg6 : memref<2560x32xf32, #tpu.memory_space<vmem>>) dst(%dma_wait3A_88 : memref<2560x32xf32, #tpu.memory_space<hbm>>)
      tpu.yield
    }) : () -> ()
    %add3A_49 = arith.constant 15360 : i32
    %add3A_50 = arith.addi %mul3A_2, %add3A_49 : i32
    "tpu.region"() ({
      %run_scoped3A = tpu.sem_alloc : memref<!tpu.dma_semaphore, #tpu.memory_space<semaphore_mem>>
      %dma_start3A_81 = tpu.memref_slice %arg3[%add3A_50] : memref<819200xi32, #tpu.memory_space<hbm>> -> memref<2560xi32, #tpu.memory_space<hbm>>
      %dma_start3A_82 = tpu.memref_slice %arg3[%add3A_50] : memref<819200xi32, #tpu.memory_space<hbm>> -> memref<2560xi32, #tpu.memory_space<hbm>>
      tpu.enqueue_dma source(%dma_start3A_82 : memref<2560xi32, #tpu.memory_space<hbm>>) target(%arg5 : memref<2560xi32, #tpu.memory_space<vmem>>) target_semaphore(%run_scoped3A : memref<!tpu.dma_semaphore, #tpu.memory_space<semaphore_mem>>)
      %dma_wait3A_83 = tpu.memref_slice %arg3[%add3A_50] : memref<819200xi32, #tpu.memory_space<hbm>> -> memref<2560xi32, #tpu.memory_space<hbm>>
      %dma_wait3A_84 = tpu.memref_slice %arg3[%add3A_50] : memref<819200xi32, #tpu.memory_space<hbm>> -> memref<2560xi32, #tpu.memory_space<hbm>>
      tpu.wait_dma2 semaphore(%run_scoped3A : memref<!tpu.dma_semaphore, #tpu.memory_space<semaphore_mem>>) src(%dma_wait3A_84 : memref<2560xi32, #tpu.memory_space<hbm>>) dst(%arg5 : memref<2560xi32, #tpu.memory_space<vmem>>)
      tpu.yield
    }) : () -> ()
    %dma_start3A_51 = arith.constant 0 : i32
    %dma_start3A_52 = arith.constant 0 : i32
    %dma_start3A_53 = tpu.memref_slice %arg2[%dma_start3A_51, %dma_start3A_52] : memref<1000000x32xf32, #tpu.memory_space<hbm>> -> memref<1000000x32xf32, #tpu.memory_space<hbm>>
    tpu.enqueue_indirect_dma source(%dma_start3A_53 : memref<1000000x32xf32, #tpu.memory_space<hbm>>) target(%arg6 : memref<2560x32xf32, #tpu.memory_space<vmem>>) offsets(%arg5 : memref<2560xi32, #tpu.memory_space<vmem>>) semaphore(%arg7 : memref<!tpu.dma_semaphore, #tpu.memory_space<semaphore_mem>>)
    %dma_wait3A_54 = arith.constant 0 : i32
    %dma_wait3A_55 = arith.constant 0 : i32
    %dma_wait3A_56 = tpu.memref_slice %arg2[%dma_wait3A_54, %dma_wait3A_55] : memref<1000000x32xf32, #tpu.memory_space<hbm>> -> memref<1000000x32xf32, #tpu.memory_space<hbm>>
    tpu.wait_indirect_dma semaphore(%arg7 : memref<!tpu.dma_semaphore, #tpu.memory_space<semaphore_mem>>) src(%dma_wait3A_56 : memref<1000000x32xf32, #tpu.memory_space<hbm>>) dst(%arg6 : memref<2560x32xf32, #tpu.memory_space<vmem>>)
    "tpu.region"() ({
      %run_scoped3A = tpu.sem_alloc : memref<!tpu.dma_semaphore, #tpu.memory_space<semaphore_mem>>
      %dma_start3A_81 = arith.constant 0 : i32
      %dma_start3A_82 = tpu.memref_slice %arg4[%add3A_50, %dma_start3A_81] : memref<819200x32xf32, #tpu.memory_space<hbm>> -> memref<2560x32xf32, #tpu.memory_space<hbm>>
      %dma_start3A_83 = arith.constant 0 : i32
      %dma_start3A_84 = tpu.memref_slice %arg4[%add3A_50, %dma_start3A_83] : memref<819200x32xf32, #tpu.memory_space<hbm>> -> memref<2560x32xf32, #tpu.memory_space<hbm>>
      tpu.enqueue_dma source(%arg6 : memref<2560x32xf32, #tpu.memory_space<vmem>>) target(%dma_start3A_84 : memref<2560x32xf32, #tpu.memory_space<hbm>>) target_semaphore(%run_scoped3A : memref<!tpu.dma_semaphore, #tpu.memory_space<semaphore_mem>>)
      %dma_wait3A_85 = arith.constant 0 : i32
      %dma_wait3A_86 = tpu.memref_slice %arg4[%add3A_50, %dma_wait3A_85] : memref<819200x32xf32, #tpu.memory_space<hbm>> -> memref<2560x32xf32, #tpu.memory_space<hbm>>
      %dma_wait3A_87 = arith.constant 0 : i32
      %dma_wait3A_88 = tpu.memref_slice %arg4[%add3A_50, %dma_wait3A_87] : memref<819200x32xf32, #tpu.memory_space<hbm>> -> memref<2560x32xf32, #tpu.memory_space<hbm>>
      tpu.wait_dma2 semaphore(%run_scoped3A : memref<!tpu.dma_semaphore, #tpu.memory_space<semaphore_mem>>) src(%arg6 : memref<2560x32xf32, #tpu.memory_space<vmem>>) dst(%dma_wait3A_88 : memref<2560x32xf32, #tpu.memory_space<hbm>>)
      tpu.yield
    }) : () -> ()
    %add3A_57 = arith.constant 17920 : i32
    %add3A_58 = arith.addi %mul3A_2, %add3A_57 : i32
    "tpu.region"() ({
      %run_scoped3A = tpu.sem_alloc : memref<!tpu.dma_semaphore, #tpu.memory_space<semaphore_mem>>
      %dma_start3A_81 = tpu.memref_slice %arg3[%add3A_58] : memref<819200xi32, #tpu.memory_space<hbm>> -> memref<2560xi32, #tpu.memory_space<hbm>>
      %dma_start3A_82 = tpu.memref_slice %arg3[%add3A_58] : memref<819200xi32, #tpu.memory_space<hbm>> -> memref<2560xi32, #tpu.memory_space<hbm>>
      tpu.enqueue_dma source(%dma_start3A_82 : memref<2560xi32, #tpu.memory_space<hbm>>) target(%arg5 : memref<2560xi32, #tpu.memory_space<vmem>>) target_semaphore(%run_scoped3A : memref<!tpu.dma_semaphore, #tpu.memory_space<semaphore_mem>>)
      %dma_wait3A_83 = tpu.memref_slice %arg3[%add3A_58] : memref<819200xi32, #tpu.memory_space<hbm>> -> memref<2560xi32, #tpu.memory_space<hbm>>
      %dma_wait3A_84 = tpu.memref_slice %arg3[%add3A_58] : memref<819200xi32, #tpu.memory_space<hbm>> -> memref<2560xi32, #tpu.memory_space<hbm>>
      tpu.wait_dma2 semaphore(%run_scoped3A : memref<!tpu.dma_semaphore, #tpu.memory_space<semaphore_mem>>) src(%dma_wait3A_84 : memref<2560xi32, #tpu.memory_space<hbm>>) dst(%arg5 : memref<2560xi32, #tpu.memory_space<vmem>>)
      tpu.yield
    }) : () -> ()
    %dma_start3A_59 = arith.constant 0 : i32
    %dma_start3A_60 = arith.constant 0 : i32
    %dma_start3A_61 = tpu.memref_slice %arg2[%dma_start3A_59, %dma_start3A_60] : memref<1000000x32xf32, #tpu.memory_space<hbm>> -> memref<1000000x32xf32, #tpu.memory_space<hbm>>
    tpu.enqueue_indirect_dma source(%dma_start3A_61 : memref<1000000x32xf32, #tpu.memory_space<hbm>>) target(%arg6 : memref<2560x32xf32, #tpu.memory_space<vmem>>) offsets(%arg5 : memref<2560xi32, #tpu.memory_space<vmem>>) semaphore(%arg7 : memref<!tpu.dma_semaphore, #tpu.memory_space<semaphore_mem>>)
    %dma_wait3A_62 = arith.constant 0 : i32
    %dma_wait3A_63 = arith.constant 0 : i32
    %dma_wait3A_64 = tpu.memref_slice %arg2[%dma_wait3A_62, %dma_wait3A_63] : memref<1000000x32xf32, #tpu.memory_space<hbm>> -> memref<1000000x32xf32, #tpu.memory_space<hbm>>
    tpu.wait_indirect_dma semaphore(%arg7 : memref<!tpu.dma_semaphore, #tpu.memory_space<semaphore_mem>>) src(%dma_wait3A_64 : memref<1000000x32xf32, #tpu.memory_space<hbm>>) dst(%arg6 : memref<2560x32xf32, #tpu.memory_space<vmem>>)
    "tpu.region"() ({
      %run_scoped3A = tpu.sem_alloc : memref<!tpu.dma_semaphore, #tpu.memory_space<semaphore_mem>>
      %dma_start3A_81 = arith.constant 0 : i32
      %dma_start3A_82 = tpu.memref_slice %arg4[%add3A_58, %dma_start3A_81] : memref<819200x32xf32, #tpu.memory_space<hbm>> -> memref<2560x32xf32, #tpu.memory_space<hbm>>
      %dma_start3A_83 = arith.constant 0 : i32
      %dma_start3A_84 = tpu.memref_slice %arg4[%add3A_58, %dma_start3A_83] : memref<819200x32xf32, #tpu.memory_space<hbm>> -> memref<2560x32xf32, #tpu.memory_space<hbm>>
      tpu.enqueue_dma source(%arg6 : memref<2560x32xf32, #tpu.memory_space<vmem>>) target(%dma_start3A_84 : memref<2560x32xf32, #tpu.memory_space<hbm>>) target_semaphore(%run_scoped3A : memref<!tpu.dma_semaphore, #tpu.memory_space<semaphore_mem>>)
      %dma_wait3A_85 = arith.constant 0 : i32
      %dma_wait3A_86 = tpu.memref_slice %arg4[%add3A_58, %dma_wait3A_85] : memref<819200x32xf32, #tpu.memory_space<hbm>> -> memref<2560x32xf32, #tpu.memory_space<hbm>>
      %dma_wait3A_87 = arith.constant 0 : i32
      %dma_wait3A_88 = tpu.memref_slice %arg4[%add3A_58, %dma_wait3A_87] : memref<819200x32xf32, #tpu.memory_space<hbm>> -> memref<2560x32xf32, #tpu.memory_space<hbm>>
      tpu.wait_dma2 semaphore(%run_scoped3A : memref<!tpu.dma_semaphore, #tpu.memory_space<semaphore_mem>>) src(%arg6 : memref<2560x32xf32, #tpu.memory_space<vmem>>) dst(%dma_wait3A_88 : memref<2560x32xf32, #tpu.memory_space<hbm>>)
      tpu.yield
    }) : () -> ()
    %add3A_65 = arith.constant 20480 : i32
    %add3A_66 = arith.addi %mul3A_2, %add3A_65 : i32
    "tpu.region"() ({
      %run_scoped3A = tpu.sem_alloc : memref<!tpu.dma_semaphore, #tpu.memory_space<semaphore_mem>>
      %dma_start3A_81 = tpu.memref_slice %arg3[%add3A_66] : memref<819200xi32, #tpu.memory_space<hbm>> -> memref<2560xi32, #tpu.memory_space<hbm>>
      %dma_start3A_82 = tpu.memref_slice %arg3[%add3A_66] : memref<819200xi32, #tpu.memory_space<hbm>> -> memref<2560xi32, #tpu.memory_space<hbm>>
      tpu.enqueue_dma source(%dma_start3A_82 : memref<2560xi32, #tpu.memory_space<hbm>>) target(%arg5 : memref<2560xi32, #tpu.memory_space<vmem>>) target_semaphore(%run_scoped3A : memref<!tpu.dma_semaphore, #tpu.memory_space<semaphore_mem>>)
      %dma_wait3A_83 = tpu.memref_slice %arg3[%add3A_66] : memref<819200xi32, #tpu.memory_space<hbm>> -> memref<2560xi32, #tpu.memory_space<hbm>>
      %dma_wait3A_84 = tpu.memref_slice %arg3[%add3A_66] : memref<819200xi32, #tpu.memory_space<hbm>> -> memref<2560xi32, #tpu.memory_space<hbm>>
      tpu.wait_dma2 semaphore(%run_scoped3A : memref<!tpu.dma_semaphore, #tpu.memory_space<semaphore_mem>>) src(%dma_wait3A_84 : memref<2560xi32, #tpu.memory_space<hbm>>) dst(%arg5 : memref<2560xi32, #tpu.memory_space<vmem>>)
      tpu.yield
    }) : () -> ()
    %dma_start3A_67 = arith.constant 0 : i32
    %dma_start3A_68 = arith.constant 0 : i32
    %dma_start3A_69 = tpu.memref_slice %arg2[%dma_start3A_67, %dma_start3A_68] : memref<1000000x32xf32, #tpu.memory_space<hbm>> -> memref<1000000x32xf32, #tpu.memory_space<hbm>>
    tpu.enqueue_indirect_dma source(%dma_start3A_69 : memref<1000000x32xf32, #tpu.memory_space<hbm>>) target(%arg6 : memref<2560x32xf32, #tpu.memory_space<vmem>>) offsets(%arg5 : memref<2560xi32, #tpu.memory_space<vmem>>) semaphore(%arg7 : memref<!tpu.dma_semaphore, #tpu.memory_space<semaphore_mem>>)
    %dma_wait3A_70 = arith.constant 0 : i32
    %dma_wait3A_71 = arith.constant 0 : i32
    %dma_wait3A_72 = tpu.memref_slice %arg2[%dma_wait3A_70, %dma_wait3A_71] : memref<1000000x32xf32, #tpu.memory_space<hbm>> -> memref<1000000x32xf32, #tpu.memory_space<hbm>>
    tpu.wait_indirect_dma semaphore(%arg7 : memref<!tpu.dma_semaphore, #tpu.memory_space<semaphore_mem>>) src(%dma_wait3A_72 : memref<1000000x32xf32, #tpu.memory_space<hbm>>) dst(%arg6 : memref<2560x32xf32, #tpu.memory_space<vmem>>)
    "tpu.region"() ({
      %run_scoped3A = tpu.sem_alloc : memref<!tpu.dma_semaphore, #tpu.memory_space<semaphore_mem>>
      %dma_start3A_81 = arith.constant 0 : i32
      %dma_start3A_82 = tpu.memref_slice %arg4[%add3A_66, %dma_start3A_81] : memref<819200x32xf32, #tpu.memory_space<hbm>> -> memref<2560x32xf32, #tpu.memory_space<hbm>>
      %dma_start3A_83 = arith.constant 0 : i32
      %dma_start3A_84 = tpu.memref_slice %arg4[%add3A_66, %dma_start3A_83] : memref<819200x32xf32, #tpu.memory_space<hbm>> -> memref<2560x32xf32, #tpu.memory_space<hbm>>
      tpu.enqueue_dma source(%arg6 : memref<2560x32xf32, #tpu.memory_space<vmem>>) target(%dma_start3A_84 : memref<2560x32xf32, #tpu.memory_space<hbm>>) target_semaphore(%run_scoped3A : memref<!tpu.dma_semaphore, #tpu.memory_space<semaphore_mem>>)
      %dma_wait3A_85 = arith.constant 0 : i32
      %dma_wait3A_86 = tpu.memref_slice %arg4[%add3A_66, %dma_wait3A_85] : memref<819200x32xf32, #tpu.memory_space<hbm>> -> memref<2560x32xf32, #tpu.memory_space<hbm>>
      %dma_wait3A_87 = arith.constant 0 : i32
      %dma_wait3A_88 = tpu.memref_slice %arg4[%add3A_66, %dma_wait3A_87] : memref<819200x32xf32, #tpu.memory_space<hbm>> -> memref<2560x32xf32, #tpu.memory_space<hbm>>
      tpu.wait_dma2 semaphore(%run_scoped3A : memref<!tpu.dma_semaphore, #tpu.memory_space<semaphore_mem>>) src(%arg6 : memref<2560x32xf32, #tpu.memory_space<vmem>>) dst(%dma_wait3A_88 : memref<2560x32xf32, #tpu.memory_space<hbm>>)
      tpu.yield
    }) : () -> ()
    %add3A_73 = arith.constant 23040 : i32
    %add3A_74 = arith.addi %mul3A_2, %add3A_73 : i32
    "tpu.region"() ({
      %run_scoped3A = tpu.sem_alloc : memref<!tpu.dma_semaphore, #tpu.memory_space<semaphore_mem>>
      %dma_start3A_81 = tpu.memref_slice %arg3[%add3A_74] : memref<819200xi32, #tpu.memory_space<hbm>> -> memref<2560xi32, #tpu.memory_space<hbm>>
      %dma_start3A_82 = tpu.memref_slice %arg3[%add3A_74] : memref<819200xi32, #tpu.memory_space<hbm>> -> memref<2560xi32, #tpu.memory_space<hbm>>
      tpu.enqueue_dma source(%dma_start3A_82 : memref<2560xi32, #tpu.memory_space<hbm>>) target(%arg5 : memref<2560xi32, #tpu.memory_space<vmem>>) target_semaphore(%run_scoped3A : memref<!tpu.dma_semaphore, #tpu.memory_space<semaphore_mem>>)
      %dma_wait3A_83 = tpu.memref_slice %arg3[%add3A_74] : memref<819200xi32, #tpu.memory_space<hbm>> -> memref<2560xi32, #tpu.memory_space<hbm>>
      %dma_wait3A_84 = tpu.memref_slice %arg3[%add3A_74] : memref<819200xi32, #tpu.memory_space<hbm>> -> memref<2560xi32, #tpu.memory_space<hbm>>
      tpu.wait_dma2 semaphore(%run_scoped3A : memref<!tpu.dma_semaphore, #tpu.memory_space<semaphore_mem>>) src(%dma_wait3A_84 : memref<2560xi32, #tpu.memory_space<hbm>>) dst(%arg5 : memref<2560xi32, #tpu.memory_space<vmem>>)
      tpu.yield
    }) : () -> ()
    %dma_start3A_75 = arith.constant 0 : i32
    %dma_start3A_76 = arith.constant 0 : i32
    %dma_start3A_77 = tpu.memref_slice %arg2[%dma_start3A_75, %dma_start3A_76] : memref<1000000x32xf32, #tpu.memory_space<hbm>> -> memref<1000000x32xf32, #tpu.memory_space<hbm>>
    tpu.enqueue_indirect_dma source(%dma_start3A_77 : memref<1000000x32xf32, #tpu.memory_space<hbm>>) target(%arg6 : memref<2560x32xf32, #tpu.memory_space<vmem>>) offsets(%arg5 : memref<2560xi32, #tpu.memory_space<vmem>>) semaphore(%arg7 : memref<!tpu.dma_semaphore, #tpu.memory_space<semaphore_mem>>)
    %dma_wait3A_78 = arith.constant 0 : i32
    %dma_wait3A_79 = arith.constant 0 : i32
    %dma_wait3A_80 = tpu.memref_slice %arg2[%dma_wait3A_78, %dma_wait3A_79] : memref<1000000x32xf32, #tpu.memory_space<hbm>> -> memref<1000000x32xf32, #tpu.memory_space<hbm>>
    tpu.wait_indirect_dma semaphore(%arg7 : memref<!tpu.dma_semaphore, #tpu.memory_space<semaphore_mem>>) src(%dma_wait3A_80 : memref<1000000x32xf32, #tpu.memory_space<hbm>>) dst(%arg6 : memref<2560x32xf32, #tpu.memory_space<vmem>>)
    "tpu.region"() ({
      %run_scoped3A = tpu.sem_alloc : memref<!tpu.dma_semaphore, #tpu.memory_space<semaphore_mem>>
      %dma_start3A_81 = arith.constant 0 : i32
      %dma_start3A_82 = tpu.memref_slice %arg4[%add3A_74, %dma_start3A_81] : memref<819200x32xf32, #tpu.memory_space<hbm>> -> memref<2560x32xf32, #tpu.memory_space<hbm>>
      %dma_start3A_83 = arith.constant 0 : i32
      %dma_start3A_84 = tpu.memref_slice %arg4[%add3A_74, %dma_start3A_83] : memref<819200x32xf32, #tpu.memory_space<hbm>> -> memref<2560x32xf32, #tpu.memory_space<hbm>>
      tpu.enqueue_dma source(%arg6 : memref<2560x32xf32, #tpu.memory_space<vmem>>) target(%dma_start3A_84 : memref<2560x32xf32, #tpu.memory_space<hbm>>) target_semaphore(%run_scoped3A : memref<!tpu.dma_semaphore, #tpu.memory_space<semaphore_mem>>)
      %dma_wait3A_85 = arith.constant 0 : i32
      %dma_wait3A_86 = tpu.memref_slice %arg4[%add3A_74, %dma_wait3A_85] : memref<819200x32xf32, #tpu.memory_space<hbm>> -> memref<2560x32xf32, #tpu.memory_space<hbm>>
      %dma_wait3A_87 = arith.constant 0 : i32
      %dma_wait3A_88 = tpu.memref_slice %arg4[%add3A_74, %dma_wait3A_87] : memref<819200x32xf32, #tpu.memory_space<hbm>> -> memref<2560x32xf32, #tpu.memory_space<hbm>>
      tpu.wait_dma2 semaphore(%run_scoped3A : memref<!tpu.dma_semaphore, #tpu.memory_space<semaphore_mem>>) src(%arg6 : memref<2560x32xf32, #tpu.memory_space<vmem>>) dst(%dma_wait3A_88 : memref<2560x32xf32, #tpu.memory_space<hbm>>)
      tpu.yield
    }) : () -> ()
    return
  }
}

module attributes {stable_mosaic.version = 14 : i64} {
  func.func @body(%arg0: i32, %arg1: memref<1x4096x128xf32, #tpu.memory_space<vmem>>, %arg2: memref<64x32xf32, #tpu.memory_space<vmem>>, %arg3: memref<64x1xf32, #tpu.memory_space<vmem>>, %arg4: memref<64x1xf32, #tpu.memory_space<vmem>>, %arg5: memref<64x1xf32, #tpu.memory_space<vmem>>, %arg6: memref<1x64x16384xf32, #tpu.memory_space<vmem>>) attributes {dimension_semantics = [#tpu.dimension_semantics<arbitrary>], iteration_bounds = array<i64: 50>, scalar_prefetch = 0 : i64, scratch_operands = 0 : i64, tpu.core_type = #tpu.core_type<tc>, window_params = [{transform_indices = @transform_0, window_bounds = array<i64: 1, 4096, 128>}, {pipeline_mode = #tpu.pipeline_mode<synchronous>, transform_indices = @transform_1, window_bounds = array<i64: 64, 32>}, {pipeline_mode = #tpu.pipeline_mode<synchronous>, transform_indices = @transform_2, window_bounds = array<i64: 64, 1>}, {pipeline_mode = #tpu.pipeline_mode<synchronous>, transform_indices = @transform_3, window_bounds = array<i64: 64, 1>}, {pipeline_mode = #tpu.pipeline_mode<synchronous>, transform_indices = @transform_4, window_bounds = array<i64: 64, 1>}, {transform_indices = @transform_5, window_bounds = array<i64: 1, 64, 16384>}]} {
    %get3A = arith.constant 0 : index
    %get3A_0 = arith.constant 0 : index
    %get3A_1 = arith.constant 0 : index
    %get3A_2 = vector.load %arg1[%get3A, %get3A_0, %get3A_1] : memref<1x4096x128xf32, #tpu.memory_space<vmem>>, vector<1x4096x128xf32>
    %get3A_3 = vector.shape_cast %get3A_2 : vector<1x4096x128xf32> to vector<4096x128xf32>
    %slice3A = vector.extract_strided_slice %get3A_3 {offsets = [0, 0], sizes = [4096, 32], strides = [1, 1]} : vector<4096x128xf32> to vector<4096x32xf32>
    %get3A_4 = arith.constant 0 : index
    %get3A_5 = arith.constant 0 : index
    %get3A_6 = vector.load %arg2[%get3A_4, %get3A_5] : memref<64x32xf32, #tpu.memory_space<vmem>>, vector<64x32xf32>
    %dot_general3A = arith.constant dense<0.000000e+00> : vector<64x4096xf32>
    %dot_general3A_7 = tpu.matmul %get3A_6, %slice3A, %dot_general3A {dimension_numbers = #tpu.dot_dimension_numbers<[1], [1], [0], [0], [0, 0, 1, 0], [], []>, transpose_lhs_hint = false} : vector<64x32xf32>, vector<4096x32xf32>, vector<64x4096xf32> -> vector<64x4096xf32>
    %get3A_8 = arith.constant 0 : index
    %get3A_9 = arith.constant 0 : index
    %get3A_10 = vector.load %arg3[%get3A_8, %get3A_9] : memref<64x1xf32, #tpu.memory_space<vmem>>, vector<64x1xf32>
    %add3A = vector.broadcast %get3A_10 : vector<64x1xf32> to vector<64x4096xf32>
    %add3A_11 = arith.addf %dot_general3A_7, %add3A : vector<64x4096xf32>
    %reduce_sum3A = arith.constant dense<0.000000e+00> : vector<4096xf32>
    %reduce_sum3A_12 = vector.multi_reduction <add>, %add3A_11, %reduce_sum3A [0] : vector<64x4096xf32> to vector<4096xf32>
    %broadcast_in_dim3A = vector.shape_cast %reduce_sum3A_12 : vector<4096xf32> to vector<1x4096xf32>
    %div3A = arith.constant 6.400000e+01 : f32
    %div3A_13 = vector.broadcast %div3A : f32 to vector<1x4096xf32>
    %div3A_14 = arith.divf %broadcast_in_dim3A, %div3A_13 : vector<1x4096xf32>
    %sub3A = vector.broadcast %div3A_14 : vector<1x4096xf32> to vector<64x4096xf32>
    %sub3A_15 = arith.subf %add3A_11, %sub3A : vector<64x4096xf32>
    %mul3A = arith.mulf %sub3A_15, %sub3A_15 : vector<64x4096xf32>
    %reduce_sum3A_16 = arith.constant dense<0.000000e+00> : vector<4096xf32>
    %reduce_sum3A_17 = vector.multi_reduction <add>, %mul3A, %reduce_sum3A_16 [0] : vector<64x4096xf32> to vector<4096xf32>
    %broadcast_in_dim3A_18 = vector.shape_cast %reduce_sum3A_17 : vector<4096xf32> to vector<1x4096xf32>
    %div3A_19 = arith.constant 6.400000e+01 : f32
    %div3A_20 = vector.broadcast %div3A_19 : f32 to vector<1x4096xf32>
    %div3A_21 = arith.divf %broadcast_in_dim3A_18, %div3A_20 : vector<1x4096xf32>
    %add3A_22 = arith.constant 9.99999974E-6 : f32
    %add3A_23 = vector.broadcast %add3A_22 : f32 to vector<1x4096xf32>
    %add3A_24 = arith.addf %div3A_21, %add3A_23 : vector<1x4096xf32>
    %rsqrt3A = math.rsqrt %add3A_24 : vector<1x4096xf32>
    %mul3A_25 = vector.broadcast %rsqrt3A : vector<1x4096xf32> to vector<64x4096xf32>
    %mul3A_26 = arith.mulf %sub3A_15, %mul3A_25 : vector<64x4096xf32>
    %get3A_27 = arith.constant 0 : index
    %get3A_28 = arith.constant 0 : index
    %get3A_29 = vector.load %arg4[%get3A_27, %get3A_28] : memref<64x1xf32, #tpu.memory_space<vmem>>, vector<64x1xf32>
    %mul3A_30 = vector.broadcast %get3A_29 : vector<64x1xf32> to vector<64x4096xf32>
    %mul3A_31 = arith.mulf %mul3A_26, %mul3A_30 : vector<64x4096xf32>
    %get3A_32 = arith.constant 0 : index
    %get3A_33 = arith.constant 0 : index
    %get3A_34 = vector.load %arg5[%get3A_32, %get3A_33] : memref<64x1xf32, #tpu.memory_space<vmem>>, vector<64x1xf32>
    %add3A_35 = vector.broadcast %get3A_34 : vector<64x1xf32> to vector<64x4096xf32>
    %add3A_36 = arith.addf %mul3A_31, %add3A_35 : vector<64x4096xf32>
    %swap3A = arith.constant 0 : index
    %swap3A_37 = arith.constant 0 : index
    %swap3A_38 = arith.constant 0 : index
    %swap3A_39 = vector.load %arg6[%swap3A, %swap3A_37, %swap3A_38] : memref<1x64x16384xf32, #tpu.memory_space<vmem>>, vector<1x64x4096xf32>
    %swap3A_40 = vector.shape_cast %swap3A_39 : vector<1x64x4096xf32> to vector<64x4096xf32>
    %swap3A_41 = vector.shape_cast %add3A_36 : vector<64x4096xf32> to vector<1x64x4096xf32>
    tpu.vector_store %arg6[%swap3A, %swap3A_37, %swap3A_38], %swap3A_41 {strides = array<i32>} : memref<1x64x16384xf32, #tpu.memory_space<vmem>>, vector<1x64x4096xf32>,
    %slice3A_42 = vector.extract_strided_slice %get3A_3 {offsets = [0, 32], sizes = [4096, 32], strides = [1, 1]} : vector<4096x128xf32> to vector<4096x32xf32>
    %get3A_43 = arith.constant 0 : index
    %get3A_44 = arith.constant 0 : index
    %get3A_45 = vector.load %arg2[%get3A_43, %get3A_44] : memref<64x32xf32, #tpu.memory_space<vmem>>, vector<64x32xf32>
    %dot_general3A_46 = arith.constant dense<0.000000e+00> : vector<64x4096xf32>
    %dot_general3A_47 = tpu.matmul %get3A_45, %slice3A_42, %dot_general3A_46 {dimension_numbers = #tpu.dot_dimension_numbers<[1], [1], [0], [0], [0, 0, 1, 0], [], []>, transpose_lhs_hint = false} : vector<64x32xf32>, vector<4096x32xf32>, vector<64x4096xf32> -> vector<64x4096xf32>
    %get3A_48 = arith.constant 0 : index
    %get3A_49 = arith.constant 0 : index
    %get3A_50 = vector.load %arg3[%get3A_48, %get3A_49] : memref<64x1xf32, #tpu.memory_space<vmem>>, vector<64x1xf32>
    %add3A_51 = vector.broadcast %get3A_50 : vector<64x1xf32> to vector<64x4096xf32>
    %add3A_52 = arith.addf %dot_general3A_47, %add3A_51 : vector<64x4096xf32>
    %reduce_sum3A_53 = arith.constant dense<0.000000e+00> : vector<4096xf32>
    %reduce_sum3A_54 = vector.multi_reduction <add>, %add3A_52, %reduce_sum3A_53 [0] : vector<64x4096xf32> to vector<4096xf32>
    %broadcast_in_dim3A_55 = vector.shape_cast %reduce_sum3A_54 : vector<4096xf32> to vector<1x4096xf32>
    %div3A_56 = arith.constant 6.400000e+01 : f32
    %div3A_57 = vector.broadcast %div3A_56 : f32 to vector<1x4096xf32>
    %div3A_58 = arith.divf %broadcast_in_dim3A_55, %div3A_57 : vector<1x4096xf32>
    %sub3A_59 = vector.broadcast %div3A_58 : vector<1x4096xf32> to vector<64x4096xf32>
    %sub3A_60 = arith.subf %add3A_52, %sub3A_59 : vector<64x4096xf32>
    %mul3A_61 = arith.mulf %sub3A_60, %sub3A_60 : vector<64x4096xf32>
    %reduce_sum3A_62 = arith.constant dense<0.000000e+00> : vector<4096xf32>
    %reduce_sum3A_63 = vector.multi_reduction <add>, %mul3A_61, %reduce_sum3A_62 [0] : vector<64x4096xf32> to vector<4096xf32>
    %broadcast_in_dim3A_64 = vector.shape_cast %reduce_sum3A_63 : vector<4096xf32> to vector<1x4096xf32>
    %div3A_65 = arith.constant 6.400000e+01 : f32
    %div3A_66 = vector.broadcast %div3A_65 : f32 to vector<1x4096xf32>
    %div3A_67 = arith.divf %broadcast_in_dim3A_64, %div3A_66 : vector<1x4096xf32>
    %add3A_68 = arith.constant 9.99999974E-6 : f32
    %add3A_69 = vector.broadcast %add3A_68 : f32 to vector<1x4096xf32>
    %add3A_70 = arith.addf %div3A_67, %add3A_69 : vector<1x4096xf32>
    %rsqrt3A_71 = math.rsqrt %add3A_70 : vector<1x4096xf32>
    %mul3A_72 = vector.broadcast %rsqrt3A_71 : vector<1x4096xf32> to vector<64x4096xf32>
    %mul3A_73 = arith.mulf %sub3A_60, %mul3A_72 : vector<64x4096xf32>
    %get3A_74 = arith.constant 0 : index
    %get3A_75 = arith.constant 0 : index
    %get3A_76 = vector.load %arg4[%get3A_74, %get3A_75] : memref<64x1xf32, #tpu.memory_space<vmem>>, vector<64x1xf32>
    %mul3A_77 = vector.broadcast %get3A_76 : vector<64x1xf32> to vector<64x4096xf32>
    %mul3A_78 = arith.mulf %mul3A_73, %mul3A_77 : vector<64x4096xf32>
    %get3A_79 = arith.constant 0 : index
    %get3A_80 = arith.constant 0 : index
    %get3A_81 = vector.load %arg5[%get3A_79, %get3A_80] : memref<64x1xf32, #tpu.memory_space<vmem>>, vector<64x1xf32>
    %add3A_82 = vector.broadcast %get3A_81 : vector<64x1xf32> to vector<64x4096xf32>
    %add3A_83 = arith.addf %mul3A_78, %add3A_82 : vector<64x4096xf32>
    %swap3A_84 = arith.constant 0 : index
    %swap3A_85 = arith.constant 0 : index
    %swap3A_86 = arith.constant 4096 : index
    %swap3A_87 = vector.load %arg6[%swap3A_84, %swap3A_85, %swap3A_86] : memref<1x64x16384xf32, #tpu.memory_space<vmem>>, vector<1x64x4096xf32>
    %swap3A_88 = vector.shape_cast %swap3A_87 : vector<1x64x4096xf32> to vector<64x4096xf32>
    %swap3A_89 = vector.shape_cast %add3A_83 : vector<64x4096xf32> to vector<1x64x4096xf32>
    tpu.vector_store %arg6[%swap3A_84, %swap3A_85, %swap3A_86], %swap3A_89 {strides = array<i32>} : memref<1x64x16384xf32, #tpu.memory_space<vmem>>, vector<1x64x4096xf32>,
    %slice3A_90 = vector.extract_strided_slice %get3A_3 {offsets = [0, 64], sizes = [4096, 32], strides = [1, 1]} : vector<4096x128xf32> to vector<4096x32xf32>
    %get3A_91 = arith.constant 0 : index
    %get3A_92 = arith.constant 0 : index
    %get3A_93 = vector.load %arg2[%get3A_91, %get3A_92] : memref<64x32xf32, #tpu.memory_space<vmem>>, vector<64x32xf32>
    %dot_general3A_94 = arith.constant dense<0.000000e+00> : vector<64x4096xf32>
    %dot_general3A_95 = tpu.matmul %get3A_93, %slice3A_90, %dot_general3A_94 {dimension_numbers = #tpu.dot_dimension_numbers<[1], [1], [0], [0], [0, 0, 1, 0], [], []>, transpose_lhs_hint = false} : vector<64x32xf32>, vector<4096x32xf32>, vector<64x4096xf32> -> vector<64x4096xf32>
    %get3A_96 = arith.constant 0 : index
    %get3A_97 = arith.constant 0 : index
    %get3A_98 = vector.load %arg3[%get3A_96, %get3A_97] : memref<64x1xf32, #tpu.memory_space<vmem>>, vector<64x1xf32>
    %add3A_99 = vector.broadcast %get3A_98 : vector<64x1xf32> to vector<64x4096xf32>
    %add3A_100 = arith.addf %dot_general3A_95, %add3A_99 : vector<64x4096xf32>
    %reduce_sum3A_101 = arith.constant dense<0.000000e+00> : vector<4096xf32>
    %reduce_sum3A_102 = vector.multi_reduction <add>, %add3A_100, %reduce_sum3A_101 [0] : vector<64x4096xf32> to vector<4096xf32>
    %broadcast_in_dim3A_103 = vector.shape_cast %reduce_sum3A_102 : vector<4096xf32> to vector<1x4096xf32>
    %div3A_104 = arith.constant 6.400000e+01 : f32
    %div3A_105 = vector.broadcast %div3A_104 : f32 to vector<1x4096xf32>
    %div3A_106 = arith.divf %broadcast_in_dim3A_103, %div3A_105 : vector<1x4096xf32>
    %sub3A_107 = vector.broadcast %div3A_106 : vector<1x4096xf32> to vector<64x4096xf32>
    %sub3A_108 = arith.subf %add3A_100, %sub3A_107 : vector<64x4096xf32>
    %mul3A_109 = arith.mulf %sub3A_108, %sub3A_108 : vector<64x4096xf32>
    %reduce_sum3A_110 = arith.constant dense<0.000000e+00> : vector<4096xf32>
    %reduce_sum3A_111 = vector.multi_reduction <add>, %mul3A_109, %reduce_sum3A_110 [0] : vector<64x4096xf32> to vector<4096xf32>
    %broadcast_in_dim3A_112 = vector.shape_cast %reduce_sum3A_111 : vector<4096xf32> to vector<1x4096xf32>
    %div3A_113 = arith.constant 6.400000e+01 : f32
    %div3A_114 = vector.broadcast %div3A_113 : f32 to vector<1x4096xf32>
    %div3A_115 = arith.divf %broadcast_in_dim3A_112, %div3A_114 : vector<1x4096xf32>
    %add3A_116 = arith.constant 9.99999974E-6 : f32
    %add3A_117 = vector.broadcast %add3A_116 : f32 to vector<1x4096xf32>
    %add3A_118 = arith.addf %div3A_115, %add3A_117 : vector<1x4096xf32>
    %rsqrt3A_119 = math.rsqrt %add3A_118 : vector<1x4096xf32>
    %mul3A_120 = vector.broadcast %rsqrt3A_119 : vector<1x4096xf32> to vector<64x4096xf32>
    %mul3A_121 = arith.mulf %sub3A_108, %mul3A_120 : vector<64x4096xf32>
    %get3A_122 = arith.constant 0 : index
    %get3A_123 = arith.constant 0 : index
    %get3A_124 = vector.load %arg4[%get3A_122, %get3A_123] : memref<64x1xf32, #tpu.memory_space<vmem>>, vector<64x1xf32>
    %mul3A_125 = vector.broadcast %get3A_124 : vector<64x1xf32> to vector<64x4096xf32>
    %mul3A_126 = arith.mulf %mul3A_121, %mul3A_125 : vector<64x4096xf32>
    %get3A_127 = arith.constant 0 : index
    %get3A_128 = arith.constant 0 : index
    %get3A_129 = vector.load %arg5[%get3A_127, %get3A_128] : memref<64x1xf32, #tpu.memory_space<vmem>>, vector<64x1xf32>
    %add3A_130 = vector.broadcast %get3A_129 : vector<64x1xf32> to vector<64x4096xf32>
    %add3A_131 = arith.addf %mul3A_126, %add3A_130 : vector<64x4096xf32>
    %swap3A_132 = arith.constant 0 : index
    %swap3A_133 = arith.constant 0 : index
    %swap3A_134 = arith.constant 8192 : index
    %swap3A_135 = vector.load %arg6[%swap3A_132, %swap3A_133, %swap3A_134] : memref<1x64x16384xf32, #tpu.memory_space<vmem>>, vector<1x64x4096xf32>
    %swap3A_136 = vector.shape_cast %swap3A_135 : vector<1x64x4096xf32> to vector<64x4096xf32>
    %swap3A_137 = vector.shape_cast %add3A_131 : vector<64x4096xf32> to vector<1x64x4096xf32>
    tpu.vector_store %arg6[%swap3A_132, %swap3A_133, %swap3A_134], %swap3A_137 {strides = array<i32>} : memref<1x64x16384xf32, #tpu.memory_space<vmem>>, vector<1x64x4096xf32>,
    %slice3A_138 = vector.extract_strided_slice %get3A_3 {offsets = [0, 96], sizes = [4096, 32], strides = [1, 1]} : vector<4096x128xf32> to vector<4096x32xf32>
    %get3A_139 = arith.constant 0 : index
    %get3A_140 = arith.constant 0 : index
    %get3A_141 = vector.load %arg2[%get3A_139, %get3A_140] : memref<64x32xf32, #tpu.memory_space<vmem>>, vector<64x32xf32>
    %dot_general3A_142 = arith.constant dense<0.000000e+00> : vector<64x4096xf32>
    %dot_general3A_143 = tpu.matmul %get3A_141, %slice3A_138, %dot_general3A_142 {dimension_numbers = #tpu.dot_dimension_numbers<[1], [1], [0], [0], [0, 0, 1, 0], [], []>, transpose_lhs_hint = false} : vector<64x32xf32>, vector<4096x32xf32>, vector<64x4096xf32> -> vector<64x4096xf32>
    %get3A_144 = arith.constant 0 : index
    %get3A_145 = arith.constant 0 : index
    %get3A_146 = vector.load %arg3[%get3A_144, %get3A_145] : memref<64x1xf32, #tpu.memory_space<vmem>>, vector<64x1xf32>
    %add3A_147 = vector.broadcast %get3A_146 : vector<64x1xf32> to vector<64x4096xf32>
    %add3A_148 = arith.addf %dot_general3A_143, %add3A_147 : vector<64x4096xf32>
    %reduce_sum3A_149 = arith.constant dense<0.000000e+00> : vector<4096xf32>
    %reduce_sum3A_150 = vector.multi_reduction <add>, %add3A_148, %reduce_sum3A_149 [0] : vector<64x4096xf32> to vector<4096xf32>
    %broadcast_in_dim3A_151 = vector.shape_cast %reduce_sum3A_150 : vector<4096xf32> to vector<1x4096xf32>
    %div3A_152 = arith.constant 6.400000e+01 : f32
    %div3A_153 = vector.broadcast %div3A_152 : f32 to vector<1x4096xf32>
    %div3A_154 = arith.divf %broadcast_in_dim3A_151, %div3A_153 : vector<1x4096xf32>
    %sub3A_155 = vector.broadcast %div3A_154 : vector<1x4096xf32> to vector<64x4096xf32>
    %sub3A_156 = arith.subf %add3A_148, %sub3A_155 : vector<64x4096xf32>
    %mul3A_157 = arith.mulf %sub3A_156, %sub3A_156 : vector<64x4096xf32>
    %reduce_sum3A_158 = arith.constant dense<0.000000e+00> : vector<4096xf32>
    %reduce_sum3A_159 = vector.multi_reduction <add>, %mul3A_157, %reduce_sum3A_158 [0] : vector<64x4096xf32> to vector<4096xf32>
    %broadcast_in_dim3A_160 = vector.shape_cast %reduce_sum3A_159 : vector<4096xf32> to vector<1x4096xf32>
    %div3A_161 = arith.constant 6.400000e+01 : f32
    %div3A_162 = vector.broadcast %div3A_161 : f32 to vector<1x4096xf32>
    %div3A_163 = arith.divf %broadcast_in_dim3A_160, %div3A_162 : vector<1x4096xf32>
    %add3A_164 = arith.constant 9.99999974E-6 : f32
    %add3A_165 = vector.broadcast %add3A_164 : f32 to vector<1x4096xf32>
    %add3A_166 = arith.addf %div3A_163, %add3A_165 : vector<1x4096xf32>
    %rsqrt3A_167 = math.rsqrt %add3A_166 : vector<1x4096xf32>
    %mul3A_168 = vector.broadcast %rsqrt3A_167 : vector<1x4096xf32> to vector<64x4096xf32>
    %mul3A_169 = arith.mulf %sub3A_156, %mul3A_168 : vector<64x4096xf32>
    %get3A_170 = arith.constant 0 : index
    %get3A_171 = arith.constant 0 : index
    %get3A_172 = vector.load %arg4[%get3A_170, %get3A_171] : memref<64x1xf32, #tpu.memory_space<vmem>>, vector<64x1xf32>
    %mul3A_173 = vector.broadcast %get3A_172 : vector<64x1xf32> to vector<64x4096xf32>
    %mul3A_174 = arith.mulf %mul3A_169, %mul3A_173 : vector<64x4096xf32>
    %get3A_175 = arith.constant 0 : index
    %get3A_176 = arith.constant 0 : index
    %get3A_177 = vector.load %arg5[%get3A_175, %get3A_176] : memref<64x1xf32, #tpu.memory_space<vmem>>, vector<64x1xf32>
    %add3A_178 = vector.broadcast %get3A_177 : vector<64x1xf32> to vector<64x4096xf32>
    %add3A_179 = arith.addf %mul3A_174, %add3A_178 : vector<64x4096xf32>
    %swap3A_180 = arith.constant 0 : index
    %swap3A_181 = arith.constant 0 : index
    %swap3A_182 = arith.constant 12288 : index
    %swap3A_183 = vector.load %arg6[%swap3A_180, %swap3A_181, %swap3A_182] : memref<1x64x16384xf32, #tpu.memory_space<vmem>>, vector<1x64x4096xf32>
    %swap3A_184 = vector.shape_cast %swap3A_183 : vector<1x64x4096xf32> to vector<64x4096xf32>
    %swap3A_185 = vector.shape_cast %add3A_179 : vector<64x4096xf32> to vector<1x64x4096xf32>
    tpu.vector_store %arg6[%swap3A_180, %swap3A_181, %swap3A_182], %swap3A_185 {strides = array<i32>} : memref<1x64x16384xf32, #tpu.memory_space<vmem>>, vector<1x64x4096xf32>,
    return
  }
  func.func @transform_0(%arg0: i32) -> (i32, i32, i32) {
    %c0_i32 = arith.constant 0 : i32
    %c0_i32_0 = arith.constant 0 : i32
    %c0_i32_1 = arith.constant 0 : i32
    return %arg0, %c0_i32, %c0_i32_0 : i32, i32, i32
  }
  func.func @transform_1(%arg0: i32) -> (i32, i32) {
    %c0_i32 = arith.constant 0 : i32
    %c0_i32_0 = arith.constant 0 : i32
    %c0_i32_1 = arith.constant 0 : i32
    return %c0_i32, %c0_i32_0 : i32, i32
  }
  func.func @transform_2(%arg0: i32) -> (i32, i32) {
    %c0_i32 = arith.constant 0 : i32
    %c0_i32_0 = arith.constant 0 : i32
    %c0_i32_1 = arith.constant 0 : i32
    return %c0_i32, %c0_i32_0 : i32, i32
  }
  func.func @transform_3(%arg0: i32) -> (i32, i32) {
    %c0_i32 = arith.constant 0 : i32
    %c0_i32_0 = arith.constant 0 : i32
    %c0_i32_1 = arith.constant 0 : i32
    return %c0_i32, %c0_i32_0 : i32, i32
  }
  func.func @transform_4(%arg0: i32) -> (i32, i32) {
    %c0_i32 = arith.constant 0 : i32
    %c0_i32_0 = arith.constant 0 : i32
    %c0_i32_1 = arith.constant 0 : i32
    return %c0_i32, %c0_i32_0 : i32, i32
  }
  func.func @transform_5(%arg0: i32) -> (i32, i32, i32) {
    %c0_i32 = arith.constant 0 : i32
    %c0_i32_0 = arith.constant 0 : i32
    %c0_i32_1 = arith.constant 0 : i32
    return %arg0, %c0_i32, %c0_i32_0 : i32, i32, i32
  }
}

</mosaic_0001>

<sc_bundles>
// kernel: kernel.4.cloned.1.call-start
scs
__scs_entry_jumppad:
0x0: {  	(pc) =	sbr.rel $0x88, $3  }
0x1: {  	(tag) =	ssettag $0x0;
	lr =	simm.s32 $0x1  }
0x2: {  	[smem:$0x3F9B] =	sst lr;
	_ =	strace $0xD0000000  }
0x3: {  	_ = 	snop  }
0x4: {  	_ = 	snop  }
0x5: {  	_ = 	snop  }
0x6: {  	_ = 	snop  }
0x7: {  	_ = 	snop  }
__scs_overlays_trampoline_lowered:
0x8: {  	[smem:$0x3FAA] =	sst s0  }
0x9: {  	[smem:$0x3FAB] =	sst s1  }
0xa: {  	[smem:$0x3FAC] =	sst s2  }
0xb: {  	[smem:$0x3FAD] =	sst s3  }
0xc: {  	[smem:$0x3FAE] =	sst s4  }
0xd: {  	[smem:$0x3FAF] =	sst s5  }
0xe: {  	[smem:$0x3FB0] =	sst s6  }
0xf: {  	[smem:$0x3FB1] =	sst s7  }
0x10: {  	[smem:$0x3FB2] =	sst s8  }
0x11: {  	[smem:$0x3FB3] =	sst s9;
	s0 =	simm.s32 @!p0 $0x0  }
0x12: {  	s1 =	sld [smem:$0x3F99];
	s0 =	simm.s32 @p0 $0x1  }
0x13: {  	[smem:$0x3FB4] =	sst s0;
	s0 =	simm.s32 @!p1 $0x0  }
0x14: {  	s2 =	sld [smem:$0x3F98];
	s0 =	simm.s32 @p1 $0x1  }
0x15: {  	[smem:$0x3FB5] =	sst s0;
	s0 =	simm.s32 @!p2 $0x0  }
0x16: {  	s3 =	sld [smem:$0x3FDB];
	s0 =	simm.s32 @p2 $0x1  }
0x17: {  	s4 =	simm.s32 $0x1BF5;
	[smem:$0x3FB7] =	sst s0  }
0x18: {  	s0 =	sld [smem:$0x3F9A];
	_ =	swait.ge [sflag:s4], $0x0  }
0x19: {  	s7 =	sld [smem:$0x3F9B]  }
0x1a: {  	s8 =	sadd.s32 $0xFFFFE003, lr  }
0x1b: {  	s9 =	sadd.s32 $0xFFFFFEF7, lr;
	s5 =	simm.s32 $0xFFFFFFFF;
	p2 =	slt.u32 s8, $0xFFFFF086  }
0x1c: {  	p1 =	slt.u32 s9, $0xF7A;
	s5 =	simm.s32 @!p2 $0x0  }
0x1d: {  	s5 =	simm.s32 @p1 $0x1;
	p0 =	seq.s32 s7, s2  }
0x1e: {  	s7 =	smul.u32 @!p0 $0xF7A, s2;
	p2 =	seq.s32 @!p0 s5, $0x0  }
0x1f: {  	s9 =	smul.u32 $0xF7A, s1;
	s8 =	simm.s32 @!p0 $0x1BF5;
	p2 =	por !p2, p0  }
0x20: {  	[sflag:s8] =	ssyncset.s32 @!p0 $0xFFFFF086;
	s6 =	sadd.s32 @!p0 s3, s7;
	s7 =	simm.s32 @!p0 $0x108  }
0x21: {  	s3 =	sadd.s32 s3, s9;
	s6 =	sadd.s32 @!p0 $0x88, s6;
	s7 =	simm.s32 @p2 $0x1082  }
0x22: {  	[simem:s7], [sflag:s8] =	dma.local @!p0 [hbm:s6], $0xF7A  }
0x23: {  	s9 =	sor.u32 $0xD0000000, s2;
	s6 =	simm.s32 $0x108;
	_ =	swait.ge @!p0 [sflag:s8], $0x0  }
0x24: {  	s3 =	sadd.s32 $0x88, s3;
	s6 =	simm.s32 @!p1 $0x1082;
	[sflag:s4] =	ssyncset.s32 $0xFFFFF086  }
0x25: {  	[simem:s6], [sflag:s4] =	dma.local [hbm:s3], $0xF7A  }
0x26: {  	[smem:$0x3F9B] =	sst s1;
	(tag) =	ssettag s2;
	_ =	strace s9  }
0x27: {  	s1 =	sld [smem:$0x3FAB]  }
0x28: {  	s2 =	sld [smem:$0x3FAC]  }
0x29: {  	s4 =	sld [smem:$0x3FAE]  }
0x2a: {  	p0 =	seq.s32 s5, $0x0;
	s5 =	sld [smem:$0x3FAF]  }
0x2b: {  	s6 =	sld [smem:$0x3FB0]  }
0x2c: {  	s7 =	sld [smem:$0x3FB1]  }
0x2d: {  	s3 =	simm.s32 $0x108;
	s8 =	sld [smem:$0x3FB2]  }
0x2e: {  	s3 =	simm.s32 @!p0 $0x1082;
	s9 =	sld [smem:$0x3FB3]  }
0x2f: {  	lr =	sadd.s32 s0, s3;
	s0 =	sld [smem:$0x3FAA]  }
0x30: {  	s3 =	sld [smem:$0x3FAD]  }
0x31: {  	[smem:$0x3FB6] =	sst s10  }
0x32: {  	s10 =	sld [smem:$0x3FB4];
	_ =	sdelay $0x3  }
0x33: {  	p0 =	seq.s32 s10, $0x1;
	s10 =	sld [smem:$0x3FB6];
	_ =	sdelay $0x3  }
0x34: {  	[smem:$0x3FB6] =	sst s10  }
0x35: {  	s10 =	sld [smem:$0x3FB5];
	_ =	sdelay $0x3  }
0x36: {  	p1 =	seq.s32 s10, $0x1;
	s10 =	sld [smem:$0x3FB6];
	_ =	sdelay $0x3  }
0x37: {  	[smem:$0x3FB6] =	sst s10  }
0x38: {  	s10 =	sld [smem:$0x3FB7]  }
0x39: {  	_ = 	snop;
	(pc) =	sbr.ind lr, $3  }
0x3a: {  	_ = 	snop  }
0x3b: {  	_ = 	snop  }
0x3c: {  	p2 =	seq.s32 s10, $0x1;
	s10 =	sld [smem:$0x3FB6]  }
0x3d: {  	_ =	shalt  }
0x3e: {  	_ =	shalt  }
0x3f: {  	_ =	shalt  }
0x40: {  	_ =	shalt  }
0x41: {  	_ =	shalt  }
0x42: {  	_ =	shalt  }
0x43: {  	_ =	shalt  }
0x44: {  	_ =	shalt  }
0x45: {  	_ =	shalt  }
0x46: {  	_ =	shalt  }
0x47: {  	_ =	shalt  }
0x48: {  	_ =	shalt  }
0x49: {  	_ =	shalt  }
0x4a: {  	_ =	shalt  }
0x4b: {  	_ =	shalt  }
0x4c: {  	_ =	shalt  }
0x4d: {  	_ =	shalt  }
0x4e: {  	_ =	shalt  }
0x4f: {  	_ =	shalt  }
0x50: {  	_ =	shalt  }
0x51: {  	_ =	shalt  }
0x52: {  	_ =	shalt  }
0x53: {  	_ =	shalt  }
0x54: {  	_ =	shalt  }
0x55: {  	_ =	shalt  }
0x56: {  	_ =	shalt  }
0x57: {  	_ =	shalt  }
0x58: {  	_ =	shalt  }
0x59: {  	_ =	shalt  }
0x5a: {  	_ =	shalt  }
0x5b: {  	_ =	shalt  }
0x5c: {  	_ =	shalt  }
0x5d: {  	_ =	shalt  }
0x5e: {  	_ =	shalt  }
0x5f: {  	_ =	shalt  }
0x60: {  	_ =	shalt  }
0x61: {  	_ =	shalt  }
0x62: {  	_ =	shalt  }
0x63: {  	_ =	shalt  }
0x64: {  	_ =	shalt  }
0x65: {  	_ =	shalt  }
0x66: {  	_ =	shalt  }
0x67: {  	_ =	shalt  }
0x68: {  	_ =	shalt  }
0x69: {  	_ =	shalt  }
0x6a: {  	_ =	shalt  }
0x6b: {  	_ =	shalt  }
0x6c: {  	_ =	shalt  }
0x6d: {  	_ =	shalt  }
0x6e: {  	_ =	shalt  }
0x6f: {  	_ =	shalt  }
0x70: {  	_ =	shalt  }
0x71: {  	_ =	shalt  }
0x72: {  	_ =	shalt  }
0x73: {  	_ =	shalt  }
0x74: {  	_ =	shalt  }
0x75: {  	_ =	shalt  }
0x76: {  	_ =	shalt  }
0x77: {  	_ =	shalt  }
0x78: {  	_ =	shalt  }
0x79: {  	_ =	shalt  }
0x7a: {  	_ =	shalt  }
0x7b: {  	_ =	shalt  }
0x7c: {  	_ =	shalt  }
0x7d: {  	_ =	shalt  }
0x7e: {  	_ =	shalt  }
0x7f: {  	_ =	shalt  }
0x80: {  	_ =	shalt  }
0x81: {  	_ =	shalt  }
0x82: {  	_ =	shalt  }
0x83: {  	_ =	shalt  }
0x84: {  	_ =	shalt  }
0x85: {  	_ =	shalt  }
0x86: {  	_ =	shalt  }
0x87: {  	_ =	shalt  }
.Lfunc_end0:
.L_simem_size_0:
called_computation_lowered:
.L_overlay_start_0:
0x88: {  	s2 =	sld [smem:$0x3FD9]  }
0x89: {  	s3 =	sld [smem:$0x3FFE];
	_ =	sdelay $0x1  }
0x8a: {  	s1 =	srdreg.scid  }
0x8b: {  	s0 =	sand.u32 $0x1, s1  }
0x8c: {  	s17 =	sshll.u32 s0, $0xA;
	s2 =	sadd.s32 s3, s2  }
0x8d: {  	s2 =	sadd.s32 s2, s17  }
0x8e: {  	[smem:$0x3FC2] =	sst s2  }
0x8f: {  	_ = 	snop  }
0x90: {  	s2 =	sld [smem:$0x3FD0];
	(tm) =	ssettm $0x1  }
0x91: {  	s18 =	sld [smem:$0x3FFB];
	_ =	sdelay $0x3  }
0x92: {  	_ =	strace s18  }
0x93: {  	s3 =	sld [smem:$0x3FFC];
	_ =	sdelay $0x3  }
0x94: {  	_ =	strace s3  }
0x95: {  	s3 =	sld [smem:$0x3FFD];
	_ =	sdelay $0x3  }
0x96: {  	_ =	strace s3  }
0x97: {  	_ =	strace $0x8FFFFFFF  }
0x98: {  	s19 =	sld [smem:$0x3FDB];
	_ =	sdelay $0x1  }
0x99: {  	s4 =	simm.s32 $_scs_section_size  }
0x9a: {  	s5 =	simm.s32 $_size__tile_overlayer_lowered;
	s6 =	simm.s32 $_tile_overlayer_lowered  }
0x9b: {  	s22 =	simm.s32 $0x1BFF;
	s21 =	sshll.u32 s6, $0x1;
	s3 =	sadd.s32 s4, s19  }
0x9c: {  	s7 =	simm.s32 $0x0;
	s20 =	sshll.u32 s5, $0x1;
	s5 =	sadd.s32 s21, s3  }
0x9d: {  	[timem:s7], [sflag:s22] =	dma.local [hbm:s5], s20  }
0x9e: {  	_ =	swait.ge [sflag:s22], s20  }
0x9f: {  	s4 =	ssub.s32 $0x0, s20;
	[sflag:s22] =	ssyncset.done $0x0  }
0xa0: {  	[sflag:s22] =	ssyncadd.s32 s4;
	_ =	sdelay $0x1  }
0xa1: {  	s23 =	simm.s32 $0x1B8B  }
0xa2: {  	_ =	swait.ge [sflag:s23], $0x1  }
0xa3: {  	[sflag:s23] =	ssyncset.done $0x0  }
0xa4: {  	s25 =	simm.s32 $0x1B8E;
	s24 =	sld [smem:$0x3FFE];
	[sflag:s23] =	ssyncadd.s32 $0xFFFFFFFF  }
0xa5: {  	s26 =	simm.s32 $execute0_lowered;
	[smem:$0x3FD2] =	sst s25  }
0xa6: {  	s5 =	sshll.u32 s26, $0x1;
	_ =	strace $0x80000046;
	[dreg:$0x1] =	wrdreg $0xFFFFFFFF  }
0xa7: {  	s28 =	simm.s32 $_size_execute0_lowered;
	s3 =	sadd.s32 s3, s5;
	[dreg:$0x0] =	wrdreg $0x0  }
0xa8: {  	s5 =	sshll.u32 s28, $0x1;
	[dreg:$0x2] =	wrdreg s3  }
0xa9: {  	[dreg:$0x3] =	wrdreg s5  }
0xaa: {  	[dreg:$0x4] =	wrdreg $0xC0  }
0xab: {  	_ =	task [dreg:s7], $0x5FFFF  }
0xac: {  	[dreg:$0x1] =	wrdreg $0xFFFFFFFF  }
0xad: {  	[dreg:$0x0] =	wrdreg $0x60  }
0xae: {  	[dreg:$0x2] =	wrdreg s2  }
0xaf: {  	[dreg:$0x3] =	wrdreg s24  }
0xb0: {  	[dreg:$0x4] =	wrdreg $0x9  }
0xb1: {  	_ =	task.clear_ibuf [dreg:s7], $0x5FFFF;
	_ =	strace $0x90000046  }
0xb2: {  	s29 =	simm.s32 $0x9;
	_ =	strace $0x80000048  }
0xb3: {  	_ =	swait.ge [sflag:s29], $0x1  }
0xb4: {  	[sflag:s29] =	ssyncadd.s32 $0xFFFFFFFF  }
0xb5: {  	_ =	strace $0x90000048  }
0xb6: {  	_ =	sfence  }
0xb7: {  	s30 =	sld [smem:$0x0];
	_ =	sdelay $0x2  }
0xb8: {  	s31 =	sshll.u32 s1, $0xD;
	s1 =	sshrl.u32 s1, $0x2  }
0xb9: {  	s3 =	sand.u32 $0x4000, s31;
	s1 =	sadd.s32 s1, s30  }
0xba: {  	s0 =	sor.u32 s3, s0;
	s1 =	sshll.u32 s1, $0x11  }
0xbb: {  	s0 =	sor.u32 s1, s0  }
0xbc: {  	s0 =	sadd.s32 $0x8F2B, s0  }
0xbd: {  	[sflag:s0] =	ssyncadd.remote.s32 $0x1  }
0xbe: {  	_ =	sfence.sel $0xFFFF  }
0xbf: {  	[dreg:$0x0] =	wrdreg $0xFFFFFFFF;
	(pc) =	sbr.abs _section_cstart, $3  }
0xc0: {  	[dreg:$0x1] =	wrdreg $0xFFFFFFFF  }
0xc1: {  	_ =	task.clear_ibuf [dreg:s7], $0x2FFFF;
	_ =	strace $0x9FFFFFFF  }
0xc2: {  	(tm) =	ssettm $0x7FFFFFFF  }
0xc3: {  	_ =	shalt  }
tec
execute0_lowered:
.L_overlay_start_1:
0x0: {  	(tag) =	ssettag $0x1  }
0x1: {  	s1 =	srdreg.scid;
	s0 =	stileid.u32  }
0x2: {  	s26 =	sand.u32 $0x1, s1;
	s29 =	sshll.u32 s0, $0x1  }
0x3: {  	s2 =	rddreg [dreg:$0x0];
	s8 =	sor.u32 s26, s29  }
0x4: {  	s9 =	rddreg [dreg:$0x1];
	s28 =	smul.u32 $0x6400, s8  }
0x5: {  	s3 =	simm.s32 $0x0;
	s1 =	rddreg [dreg:$0x2]  }
0x6: {  	[smem:$0x7FF] =	sst s3;
	s25 =	sadd.s32 $0x320E00, s9;
	s4 =	sshrl.u32 s28, $0x3  }
0x7: {  	_ =	strace $0x80000047;
	s5 =	sadd.s32 s25, s4;
	s4 =	simm.s32 $0x2  }
0x8: {  	[tilespmem:s3], [sflag:$0x2] =	stream.linear.gather [hbm4b:s5+s3], $0xA00, $0x38;
	[tilespmem:$0x14A00] =	vst v63  }
0x9: {  	_ =	swait.ge [sflag:s4], $0xA00  }
0xa: {  	[sflag:s4] =	ssyncset.done $0x0  }
0xb: {  	s6 =	simm.s32 $0xA00;
	s7 =	simm.s32 $0x1;
	[sflag:s4] =	ssyncadd.s32 $0xFFFFF600  }
0xc: {  	[tilespmem:s6], [sflag:$0x1] =	stream.indirect.gather [hbm4b:s2+s6], $0x20, s3, s6, $0xb8;
	[tilespmem:$0x14A00] =	vst v63  }
0xd: {  	s8 =	smul.u32 $0x19000, s8;
	_ =	swait.ge [sflag:s7], $0x14000  }
0xe: {  	s29 =	sadd.s32 $0xE00, s9;
	[sflag:s7] =	ssyncset.done $0x0  }
0xf: {  	s8 =	sadd.s32 s29, s8;
	[sflag:s7] =	ssyncadd.s32 $0xFFFEC000  }
0x10: {  	[hbm4b:s8+s3] =	stream.linear.scatter [tilespmem:s6], [sflag:$0x2], $0x14000, $0x38;
	[tilespmem:$0x14A00] =	vst v63  }
0x11: {  	s10 =	sadd.s32 $0xA00, s28;
	_ =	swait.ge [sflag:s4], $0x14000  }
0x12: {  	s30 =	sshrl.u32 s10, $0x3;
	[sflag:s4] =	ssyncset.done $0x0  }
0x13: {  	s9 =	sadd.s32 s25, s30;
	[sflag:s4] =	ssyncadd.s32 $0xFFFEC000  }
0x14: {  	[tilespmem:s3], [sflag:$0x2] =	stream.linear.gather [hbm4b:s9+s3], $0xA00, $0x38;
	[tilespmem:$0x14A00] =	vst v63  }
0x15: {  	_ =	swait.ge [sflag:s4], $0xA00  }
0x16: {  	[sflag:s4] =	ssyncset.done $0x0  }
0x17: {  	[sflag:s4] =	ssyncadd.s32 $0xFFFFF600  }
0x18: {  	[tilespmem:s6], [sflag:$0x1] =	stream.indirect.gather [hbm4b:s2+s6], $0x20, s3, s6, $0xb8;
	[tilespmem:$0x14A00] =	vst v63  }
0x19: {  	_ =	swait.ge [sflag:s7], $0x14000  }
0x1a: {  	s10 =	sshll.u32 s10, $0x2;
	[sflag:s7] =	ssyncset.done $0x0  }
0x1b: {  	s10 =	sadd.s32 s29, s10;
	[sflag:s7] =	ssyncadd.s32 $0xFFFEC000  }
0x1c: {  	[hbm4b:s10+s3] =	stream.linear.scatter [tilespmem:s6], [sflag:$0x2], $0x14000, $0x38;
	[tilespmem:$0x14A00] =	vst v63  }
0x1d: {  	s12 =	sadd.s32 $0x1400, s28;
	_ =	swait.ge [sflag:s4], $0x14000  }
0x1e: {  	s11 =	sshrl.u32 s12, $0x3;
	[sflag:s4] =	ssyncset.done $0x0  }
0x1f: {  	s11 =	sadd.s32 s25, s11;
	[sflag:s4] =	ssyncadd.s32 $0xFFFEC000  }
0x20: {  	[tilespmem:s3], [sflag:$0x2] =	stream.linear.gather [hbm4b:s11+s3], $0xA00, $0x38;
	[tilespmem:$0x14A00] =	vst v63  }
0x21: {  	_ =	swait.ge [sflag:s4], $0xA00  }
0x22: {  	[sflag:s4] =	ssyncset.done $0x0  }
0x23: {  	[sflag:s4] =	ssyncadd.s32 $0xFFFFF600  }
0x24: {  	[tilespmem:s6], [sflag:$0x1] =	stream.indirect.gather [hbm4b:s2+s6], $0x20, s3, s6, $0xb8;
	[tilespmem:$0x14A00] =	vst v63  }
0x25: {  	_ =	swait.ge [sflag:s7], $0x14000  }
0x26: {  	s12 =	sshll.u32 s12, $0x2;
	[sflag:s7] =	ssyncset.done $0x0  }
0x27: {  	s12 =	sadd.s32 s29, s12;
	[sflag:s7] =	ssyncadd.s32 $0xFFFEC000  }
0x28: {  	[hbm4b:s12+s3] =	stream.linear.scatter [tilespmem:s6], [sflag:$0x2], $0x14000, $0x38;
	[tilespmem:$0x14A00] =	vst v63  }
0x29: {  	s14 =	sadd.s32 $0x1E00, s28;
	_ =	swait.ge [sflag:s4], $0x14000  }
0x2a: {  	s13 =	sshrl.u32 s14, $0x3;
	[sflag:s4] =	ssyncset.done $0x0  }
0x2b: {  	s13 =	sadd.s32 s25, s13;
	[sflag:s4] =	ssyncadd.s32 $0xFFFEC000  }
0x2c: {  	[tilespmem:s3], [sflag:$0x2] =	stream.linear.gather [hbm4b:s13+s3], $0xA00, $0x38;
	[tilespmem:$0x14A00] =	vst v63  }
0x2d: {  	_ =	swait.ge [sflag:s4], $0xA00  }
0x2e: {  	[sflag:s4] =	ssyncset.done $0x0  }
0x2f: {  	[sflag:s4] =	ssyncadd.s32 $0xFFFFF600  }
0x30: {  	[tilespmem:s6], [sflag:$0x1] =	stream.indirect.gather [hbm4b:s2+s6], $0x20, s3, s6, $0xb8;
	[tilespmem:$0x14A00] =	vst v63  }
0x31: {  	_ =	swait.ge [sflag:s7], $0x14000  }
0x32: {  	s14 =	sshll.u32 s14, $0x2;
	[sflag:s7] =	ssyncset.done $0x0  }
0x33: {  	s14 =	sadd.s32 s29, s14;
	[sflag:s7] =	ssyncadd.s32 $0xFFFEC000  }
0x34: {  	[hbm4b:s14+s3] =	stream.linear.scatter [tilespmem:s6], [sflag:$0x2], $0x14000, $0x38;
	[tilespmem:$0x14A00] =	vst v63  }
0x35: {  	s16 =	sadd.s32 $0x2800, s28;
	_ =	swait.ge [sflag:s4], $0x14000  }
0x36: {  	s15 =	sshrl.u32 s16, $0x3;
	[sflag:s4] =	ssyncset.done $0x0  }
0x37: {  	s15 =	sadd.s32 s25, s15;
	[sflag:s4] =	ssyncadd.s32 $0xFFFEC000  }
0x38: {  	[tilespmem:s3], [sflag:$0x2] =	stream.linear.gather [hbm4b:s15+s3], $0xA00, $0x38;
	[tilespmem:$0x14A00] =	vst v63  }
0x39: {  	_ =	swait.ge [sflag:s4], $0xA00  }
0x3a: {  	[sflag:s4] =	ssyncset.done $0x0  }
0x3b: {  	[sflag:s4] =	ssyncadd.s32 $0xFFFFF600  }
0x3c: {  	[tilespmem:s6], [sflag:$0x1] =	stream.indirect.gather [hbm4b:s2+s6], $0x20, s3, s6, $0xb8;
	[tilespmem:$0x14A00] =	vst v63  }
0x3d: {  	_ =	swait.ge [sflag:s7], $0x14000  }
0x3e: {  	s16 =	sshll.u32 s16, $0x2;
	[sflag:s7] =	ssyncset.done $0x0  }
0x3f: {  	s16 =	sadd.s32 s29, s16;
	[sflag:s7] =	ssyncadd.s32 $0xFFFEC000  }
0x40: {  	[hbm4b:s16+s3] =	stream.linear.scatter [tilespmem:s6], [sflag:$0x2], $0x14000, $0x38;
	[tilespmem:$0x14A00] =	vst v63  }
0x41: {  	s18 =	sadd.s32 $0x3200, s28;
	_ =	swait.ge [sflag:s4], $0x14000  }
0x42: {  	s17 =	sshrl.u32 s18, $0x3;
	[sflag:s4] =	ssyncset.done $0x0  }
0x43: {  	s17 =	sadd.s32 s25, s17;
	[sflag:s4] =	ssyncadd.s32 $0xFFFEC000  }
0x44: {  	[tilespmem:s3], [sflag:$0x2] =	stream.linear.gather [hbm4b:s17+s3], $0xA00, $0x38;
	[tilespmem:$0x14A00] =	vst v63  }
0x45: {  	_ =	swait.ge [sflag:s4], $0xA00  }
0x46: {  	[sflag:s4] =	ssyncset.done $0x0  }
0x47: {  	[sflag:s4] =	ssyncadd.s32 $0xFFFFF600  }
0x48: {  	[tilespmem:s6], [sflag:$0x1] =	stream.indirect.gather [hbm4b:s2+s6], $0x20, s3, s6, $0xb8;
	[tilespmem:$0x14A00] =	vst v63  }
0x49: {  	_ =	swait.ge [sflag:s7], $0x14000  }
0x4a: {  	s18 =	sshll.u32 s18, $0x2;
	[sflag:s7] =	ssyncset.done $0x0  }
0x4b: {  	s18 =	sadd.s32 s29, s18;
	[sflag:s7] =	ssyncadd.s32 $0xFFFEC000  }
0x4c: {  	[hbm4b:s18+s3] =	stream.linear.scatter [tilespmem:s6], [sflag:$0x2], $0x14000, $0x38;
	[tilespmem:$0x14A00] =	vst v63  }
0x4d: {  	s20 =	sadd.s32 $0x3C00, s28;
	_ =	swait.ge [sflag:s4], $0x14000  }
0x4e: {  	s19 =	sshrl.u32 s20, $0x3;
	[sflag:s4] =	ssyncset.done $0x0  }
0x4f: {  	s19 =	sadd.s32 s25, s19;
	[sflag:s4] =	ssyncadd.s32 $0xFFFEC000  }
0x50: {  	[tilespmem:s3], [sflag:$0x2] =	stream.linear.gather [hbm4b:s19+s3], $0xA00, $0x38;
	[tilespmem:$0x14A00] =	vst v63  }
0x51: {  	_ =	swait.ge [sflag:s4], $0xA00  }
0x52: {  	[sflag:s4] =	ssyncset.done $0x0  }
0x53: {  	[sflag:s4] =	ssyncadd.s32 $0xFFFFF600  }
0x54: {  	[tilespmem:s6], [sflag:$0x1] =	stream.indirect.gather [hbm4b:s2+s6], $0x20, s3, s6, $0xb8;
	[tilespmem:$0x14A00] =	vst v63  }
0x55: {  	_ =	swait.ge [sflag:s7], $0x14000  }
0x56: {  	s20 =	sshll.u32 s20, $0x2;
	[sflag:s7] =	ssyncset.done $0x0  }
0x57: {  	s20 =	sadd.s32 s29, s20;
	[sflag:s7] =	ssyncadd.s32 $0xFFFEC000  }
0x58: {  	[hbm4b:s20+s3] =	stream.linear.scatter [tilespmem:s6], [sflag:$0x2], $0x14000, $0x38;
	[tilespmem:$0x14A00] =	vst v63  }
0x59: {  	s22 =	sadd.s32 $0x4600, s28;
	_ =	swait.ge [sflag:s4], $0x14000  }
0x5a: {  	s21 =	sshrl.u32 s22, $0x3;
	[sflag:s4] =	ssyncset.done $0x0  }
0x5b: {  	s21 =	sadd.s32 s25, s21;
	[sflag:s4] =	ssyncadd.s32 $0xFFFEC000  }
0x5c: {  	[tilespmem:s3], [sflag:$0x2] =	stream.linear.gather [hbm4b:s21+s3], $0xA00, $0x38;
	[tilespmem:$0x14A00] =	vst v63  }
0x5d: {  	_ =	swait.ge [sflag:s4], $0xA00  }
0x5e: {  	[sflag:s4] =	ssyncset.done $0x0  }
0x5f: {  	[sflag:s4] =	ssyncadd.s32 $0xFFFFF600  }
0x60: {  	[tilespmem:s6], [sflag:$0x1] =	stream.indirect.gather [hbm4b:s2+s6], $0x20, s3, s6, $0xb8;
	[tilespmem:$0x14A00] =	vst v63  }
0x61: {  	_ =	swait.ge [sflag:s7], $0x14000  }
0x62: {  	s22 =	sshll.u32 s22, $0x2;
	[sflag:s7] =	ssyncset.done $0x0  }
0x63: {  	s22 =	sadd.s32 s29, s22;
	[sflag:s7] =	ssyncadd.s32 $0xFFFEC000  }
0x64: {  	[hbm4b:s22+s3] =	stream.linear.scatter [tilespmem:s6], [sflag:$0x2], $0x14000, $0x38;
	[tilespmem:$0x14A00] =	vst v63  }
0x65: {  	s24 =	sadd.s32 $0x5000, s28;
	_ =	swait.ge [sflag:s4], $0x14000  }
0x66: {  	s23 =	sshrl.u32 s24, $0x3;
	[sflag:s4] =	ssyncset.done $0x0  }
0x67: {  	s23 =	sadd.s32 s25, s23;
	[sflag:s4] =	ssyncadd.s32 $0xFFFEC000  }
0x68: {  	[tilespmem:s3], [sflag:$0x2] =	stream.linear.gather [hbm4b:s23+s3], $0xA00, $0x38;
	[tilespmem:$0x14A00] =	vst v63  }
0x69: {  	_ =	swait.ge [sflag:s4], $0xA00  }
0x6a: {  	[sflag:s4] =	ssyncset.done $0x0  }
0x6b: {  	[sflag:s4] =	ssyncadd.s32 $0xFFFFF600  }
0x6c: {  	[tilespmem:s6], [sflag:$0x1] =	stream.indirect.gather [hbm4b:s2+s6], $0x20, s3, s6, $0xb8;
	[tilespmem:$0x14A00] =	vst v63  }
0x6d: {  	_ =	swait.ge [sflag:s7], $0x14000  }
0x6e: {  	s24 =	sshll.u32 s24, $0x2;
	[sflag:s7] =	ssyncset.done $0x0  }
0x6f: {  	s24 =	sadd.s32 s29, s24;
	[sflag:s7] =	ssyncadd.s32 $0xFFFEC000  }
0x70: {  	[hbm4b:s24+s3] =	stream.linear.scatter [tilespmem:s6], [sflag:$0x2], $0x14000, $0x38;
	[tilespmem:$0x14A00] =	vst v63  }
0x71: {  	s28 =	sadd.s32 $0x5A00, s28;
	_ =	swait.ge [sflag:s4], $0x14000  }
0x72: {  	s30 =	sshrl.u32 s28, $0x3;
	[sflag:s4] =	ssyncset.done $0x0  }
0x73: {  	s26 =	ssub.s32 $0x2, s26;
	s25 =	sadd.s32 s25, s30;
	[sflag:s4] =	ssyncadd.s32 $0xFFFEC000  }
0x74: {  	[tilespmem:s3], [sflag:$0x2] =	stream.linear.gather [hbm4b:s25+s3], $0xA00, $0x38;
	[tilespmem:$0x14A00] =	vst v63  }
0x75: {  	s31 =	sshrl.u32 s26, $0x1;
	_ =	swait.ge [sflag:s4], $0xA00  }
0x76: {  	s30 =	ssub.s32 s26, s31;
	[sflag:s4] =	ssyncset.done $0x0  }
0x77: {  	s31 =	sshll.u32 s28, $0x2;
	s28 =	smax.u32 s30, $0x1;
	[sflag:s4] =	ssyncadd.s32 $0xFFFFF600  }
0x78: {  	[tilespmem:s6], [sflag:$0x1] =	stream.indirect.gather [hbm4b:s2+s6], $0x20, s3, s6, $0xb8;
	[tilespmem:$0x14A00] =	vst v63  }
0x79: {  	p0 =	sne.s32 s28, $0x1;
	_ =	swait.ge [sflag:s7], $0x14000  }
.Ltmp0:
0x7a: {  	[sflag:s7] =	ssyncset.done $0x0;
	(pc) =	sbr.rel @!p0 .LBB2_2-.Ltmp0, $4  }
0x7b: {  	s26 =	sadd.s32 s29, s31;
	[sflag:s7] =	ssyncadd.s32 $0xFFFEC000  }
0x7c: {  	[hbm4b:s26+s3] =	stream.linear.scatter [tilespmem:s6], [sflag:$0x2], $0x14000, $0x38;
	[tilespmem:$0x14A00] =	vst v63  }
0x7d: {  	_ =	swait.ge [sflag:s4], $0x14000  }
0x7e: {  	s28 =	sadd.s32 $0xFFFFFFFF, s28;
	[sflag:s4] =	ssyncset.done $0x0  }
.LBB2_1:
0x7f: {  	p0 =	sne.s32 s28, $0x1;
	s28 =	sadd.s32 $0xFFFFFFFF, s28;
	[sflag:s4] =	ssyncadd.s32 $0xFFFEC000  }
0x80: {  	[tilespmem:s3], [sflag:$0x2] =	stream.linear.gather [hbm4b:s5+s3], $0xA00, $0x38;
	[tilespmem:$0x14A00] =	vst v63  }
0x81: {  	_ =	swait.ge [sflag:s4], $0xA00  }
0x82: {  	[sflag:s4] =	ssyncset.done $0x0  }
0x83: {  	[sflag:s4] =	ssyncadd.s32 $0xFFFFF600  }
0x84: {  	[tilespmem:s6], [sflag:$0x1] =	stream.indirect.gather [hbm4b:s2+s6], $0x20, s3, s6, $0xb8;
	[tilespmem:$0x14A00] =	vst v63  }
0x85: {  	_ =	swait.ge [sflag:s7], $0x14000  }
0x86: {  	[sflag:s7] =	ssyncset.done $0x0  }
0x87: {  	[sflag:s7] =	ssyncadd.s32 $0xFFFEC000  }
0x88: {  	[hbm4b:s8+s3] =	stream.linear.scatter [tilespmem:s6], [sflag:$0x2], $0x14000, $0x38;
	[tilespmem:$0x14A00] =	vst v63  }
0x89: {  	_ =	swait.ge [sflag:s4], $0x14000  }
0x8a: {  	[sflag:s4] =	ssyncset.done $0x0  }
0x8b: {  	[sflag:s4] =	ssyncadd.s32 $0xFFFEC000  }
0x8c: {  	[tilespmem:s3], [sflag:$0x2] =	stream.linear.gather [hbm4b:s9+s3], $0xA00, $0x38;
	[tilespmem:$0x14A00] =	vst v63  }
0x8d: {  	_ =	swait.ge [sflag:s4], $0xA00  }
0x8e: {  	[sflag:s4] =	ssyncset.done $0x0  }
0x8f: {  	[sflag:s4] =	ssyncadd.s32 $0xFFFFF600  }
0x90: {  	[tilespmem:s6], [sflag:$0x1] =	stream.indirect.gather [hbm4b:s2+s6], $0x20, s3, s6, $0xb8;
	[tilespmem:$0x14A00] =	vst v63  }
0x91: {  	_ =	swait.ge [sflag:s7], $0x14000  }
0x92: {  	[sflag:s7] =	ssyncset.done $0x0  }
0x93: {  	[sflag:s7] =	ssyncadd.s32 $0xFFFEC000  }
0x94: {  	[hbm4b:s10+s3] =	stream.linear.scatter [tilespmem:s6], [sflag:$0x2], $0x14000, $0x38;
	[tilespmem:$0x14A00] =	vst v63  }
0x95: {  	_ =	swait.ge [sflag:s4], $0x14000  }
0x96: {  	[sflag:s4] =	ssyncset.done $0x0  }
0x97: {  	[sflag:s4] =	ssyncadd.s32 $0xFFFEC000  }
0x98: {  	[tilespmem:s3], [sflag:$0x2] =	stream.linear.gather [hbm4b:s11+s3], $0xA00, $0x38;
	[tilespmem:$0x14A00] =	vst v63  }
0x99: {  	_ =	swait.ge [sflag:s4], $0xA00  }
0x9a: {  	[sflag:s4] =	ssyncset.done $0x0  }
0x9b: {  	[sflag:s4] =	ssyncadd.s32 $0xFFFFF600  }
0x9c: {  	[tilespmem:s6], [sflag:$0x1] =	stream.indirect.gather [hbm4b:s2+s6], $0x20, s3, s6, $0xb8;
	[tilespmem:$0x14A00] =	vst v63  }
0x9d: {  	_ =	swait.ge [sflag:s7], $0x14000  }
0x9e: {  	[sflag:s7] =	ssyncset.done $0x0  }
0x9f: {  	[sflag:s7] =	ssyncadd.s32 $0xFFFEC000  }
0xa0: {  	[hbm4b:s12+s3] =	stream.linear.scatter [tilespmem:s6], [sflag:$0x2], $0x14000, $0x38;
	[tilespmem:$0x14A00] =	vst v63  }
0xa1: {  	_ =	swait.ge [sflag:s4], $0x14000  }
0xa2: {  	[sflag:s4] =	ssyncset.done $0x0  }
0xa3: {  	[sflag:s4] =	ssyncadd.s32 $0xFFFEC000  }
0xa4: {  	[tilespmem:s3], [sflag:$0x2] =	stream.linear.gather [hbm4b:s13+s3], $0xA00, $0x38;
	[tilespmem:$0x14A00] =	vst v63  }
0xa5: {  	_ =	swait.ge [sflag:s4], $0xA00  }
0xa6: {  	[sflag:s4] =	ssyncset.done $0x0  }
0xa7: {  	[sflag:s4] =	ssyncadd.s32 $0xFFFFF600  }
0xa8: {  	[tilespmem:s6], [sflag:$0x1] =	stream.indirect.gather [hbm4b:s2+s6], $0x20, s3, s6, $0xb8;
	[tilespmem:$0x14A00] =	vst v63  }
0xa9: {  	_ =	swait.ge [sflag:s7], $0x14000  }
0xaa: {  	[sflag:s7] =	ssyncset.done $0x0  }
0xab: {  	[sflag:s7] =	ssyncadd.s32 $0xFFFEC000  }
0xac: {  	[hbm4b:s14+s3] =	stream.linear.scatter [tilespmem:s6], [sflag:$0x2], $0x14000, $0x38;
	[tilespmem:$0x14A00] =	vst v63  }
0xad: {  	_ =	swait.ge [sflag:s4], $0x14000  }
0xae: {  	[sflag:s4] =	ssyncset.done $0x0  }
0xaf: {  	[sflag:s4] =	ssyncadd.s32 $0xFFFEC000  }
0xb0: {  	[tilespmem:s3], [sflag:$0x2] =	stream.linear.gather [hbm4b:s15+s3], $0xA00, $0x38;
	[tilespmem:$0x14A00] =	vst v63  }
0xb1: {  	_ =	swait.ge [sflag:s4], $0xA00  }
0xb2: {  	[sflag:s4] =	ssyncset.done $0x0  }
0xb3: {  	[sflag:s4] =	ssyncadd.s32 $0xFFFFF600  }
0xb4: {  	[tilespmem:s6], [sflag:$0x1] =	stream.indirect.gather [hbm4b:s2+s6], $0x20, s3, s6, $0xb8;
	[tilespmem:$0x14A00] =	vst v63  }
0xb5: {  	_ =	swait.ge [sflag:s7], $0x14000  }
0xb6: {  	[sflag:s7] =	ssyncset.done $0x0  }
0xb7: {  	[sflag:s7] =	ssyncadd.s32 $0xFFFEC000  }
0xb8: {  	[hbm4b:s16+s3] =	stream.linear.scatter [tilespmem:s6], [sflag:$0x2], $0x14000, $0x38;
	[tilespmem:$0x14A00] =	vst v63  }
0xb9: {  	_ =	swait.ge [sflag:s4], $0x14000  }
0xba: {  	[sflag:s4] =	ssyncset.done $0x0  }
0xbb: {  	[sflag:s4] =	ssyncadd.s32 $0xFFFEC000  }
0xbc: {  	[tilespmem:s3], [sflag:$0x2] =	stream.linear.gather [hbm4b:s17+s3], $0xA00, $0x38;
	[tilespmem:$0x14A00] =	vst v63  }
0xbd: {  	_ =	swait.ge [sflag:s4], $0xA00  }
0xbe: {  	[sflag:s4] =	ssyncset.done $0x0  }
0xbf: {  	[sflag:s4] =	ssyncadd.s32 $0xFFFFF600  }
0xc0: {  	[tilespmem:s6], [sflag:$0x1] =	stream.indirect.gather [hbm4b:s2+s6], $0x20, s3, s6, $0xb8;
	[tilespmem:$0x14A00] =	vst v63  }
0xc1: {  	_ =	swait.ge [sflag:s7], $0x14000  }
0xc2: {  	[sflag:s7] =	ssyncset.done $0x0  }
0xc3: {  	[sflag:s7] =	ssyncadd.s32 $0xFFFEC000  }
0xc4: {  	[hbm4b:s18+s3] =	stream.linear.scatter [tilespmem:s6], [sflag:$0x2], $0x14000, $0x38;
	[tilespmem:$0x14A00] =	vst v63  }
0xc5: {  	_ =	swait.ge [sflag:s4], $0x14000  }
0xc6: {  	[sflag:s4] =	ssyncset.done $0x0  }
0xc7: {  	[sflag:s4] =	ssyncadd.s32 $0xFFFEC000  }
0xc8: {  	[tilespmem:s3], [sflag:$0x2] =	stream.linear.gather [hbm4b:s19+s3], $0xA00, $0x38;
	[tilespmem:$0x14A00] =	vst v63  }
0xc9: {  	_ =	swait.ge [sflag:s4], $0xA00  }
0xca: {  	[sflag:s4] =	ssyncset.done $0x0  }
0xcb: {  	[sflag:s4] =	ssyncadd.s32 $0xFFFFF600  }
0xcc: {  	[tilespmem:s6], [sflag:$0x1] =	stream.indirect.gather [hbm4b:s2+s6], $0x20, s3, s6, $0xb8;
	[tilespmem:$0x14A00] =	vst v63  }
0xcd: {  	_ =	swait.ge [sflag:s7], $0x14000  }
0xce: {  	[sflag:s7] =	ssyncset.done $0x0  }
0xcf: {  	[sflag:s7] =	ssyncadd.s32 $0xFFFEC000  }
0xd0: {  	[hbm4b:s20+s3] =	stream.linear.scatter [tilespmem:s6], [sflag:$0x2], $0x14000, $0x38;
	[tilespmem:$0x14A00] =	vst v63  }
0xd1: {  	_ =	swait.ge [sflag:s4], $0x14000  }
0xd2: {  	[sflag:s4] =	ssyncset.done $0x0  }
0xd3: {  	[sflag:s4] =	ssyncadd.s32 $0xFFFEC000  }
0xd4: {  	[tilespmem:s3], [sflag:$0x2] =	stream.linear.gather [hbm4b:s21+s3], $0xA00, $0x38;
	[tilespmem:$0x14A00] =	vst v63  }
0xd5: {  	_ =	swait.ge [sflag:s4], $0xA00  }
0xd6: {  	[sflag:s4] =	ssyncset.done $0x0  }
0xd7: {  	[sflag:s4] =	ssyncadd.s32 $0xFFFFF600  }
0xd8: {  	[tilespmem:s6], [sflag:$0x1] =	stream.indirect.gather [hbm4b:s2+s6], $0x20, s3, s6, $0xb8;
	[tilespmem:$0x14A00] =	vst v63  }
0xd9: {  	_ =	swait.ge [sflag:s7], $0x14000  }
0xda: {  	[sflag:s7] =	ssyncset.done $0x0  }
0xdb: {  	[sflag:s7] =	ssyncadd.s32 $0xFFFEC000  }
0xdc: {  	[hbm4b:s22+s3] =	stream.linear.scatter [tilespmem:s6], [sflag:$0x2], $0x14000, $0x38;
	[tilespmem:$0x14A00] =	vst v63  }
0xdd: {  	_ =	swait.ge [sflag:s4], $0x14000  }
0xde: {  	[sflag:s4] =	ssyncset.done $0x0  }
0xdf: {  	[sflag:s4] =	ssyncadd.s32 $0xFFFEC000  }
0xe0: {  	[tilespmem:s3], [sflag:$0x2] =	stream.linear.gather [hbm4b:s23+s3], $0xA00, $0x38;
	[tilespmem:$0x14A00] =	vst v63  }
0xe1: {  	_ =	swait.ge [sflag:s4], $0xA00  }
0xe2: {  	[sflag:s4] =	ssyncset.done $0x0  }
0xe3: {  	[sflag:s4] =	ssyncadd.s32 $0xFFFFF600  }
0xe4: {  	[tilespmem:s6], [sflag:$0x1] =	stream.indirect.gather [hbm4b:s2+s6], $0x20, s3, s6, $0xb8;
	[tilespmem:$0x14A00] =	vst v63  }
0xe5: {  	_ =	swait.ge [sflag:s7], $0x14000  }
0xe6: {  	[sflag:s7] =	ssyncset.done $0x0  }
0xe7: {  	[sflag:s7] =	ssyncadd.s32 $0xFFFEC000  }
0xe8: {  	[hbm4b:s24+s3] =	stream.linear.scatter [tilespmem:s6], [sflag:$0x2], $0x14000, $0x38;
	[tilespmem:$0x14A00] =	vst v63  }
0xe9: {  	_ =	swait.ge [sflag:s4], $0x14000  }
0xea: {  	[sflag:s4] =	ssyncset.done $0x0  }
0xeb: {  	[sflag:s4] =	ssyncadd.s32 $0xFFFEC000  }
0xec: {  	[tilespmem:s3], [sflag:$0x2] =	stream.linear.gather [hbm4b:s25+s3], $0xA00, $0x38;
	[tilespmem:$0x14A00] =	vst v63  }
0xed: {  	_ =	swait.ge [sflag:s4], $0xA00  }
0xee: {  	[sflag:s4] =	ssyncset.done $0x0  }
0xef: {  	[sflag:s4] =	ssyncadd.s32 $0xFFFFF600  }
0xf0: {  	[tilespmem:s6], [sflag:$0x1] =	stream.indirect.gather [hbm4b:s2+s6], $0x20, s3, s6, $0xb8;
	[tilespmem:$0x14A00] =	vst v63  }
0xf1: {  	_ =	swait.ge [sflag:s7], $0x14000  }
.Ltmp1:
0xf2: {  	[sflag:s7] =	ssyncset.done $0x0;
	(pc) =	sbr.rel @p0 .LBB2_1-.Ltmp1, $4  }
0xf3: {  	[sflag:s7] =	ssyncadd.s32 $0xFFFEC000  }
0xf4: {  	[hbm4b:s26+s3] =	stream.linear.scatter [tilespmem:s6], [sflag:$0x2], $0x14000, $0x38;
	[tilespmem:$0x14A00] =	vst v63  }
0xf5: {  	_ =	swait.ge [sflag:s4], $0x14000  }
0xf6: {  	[sflag:s4] =	ssyncset.done $0x0  }
.LBB2_2:
0xf7: {  	[sflag:s4] =	ssyncadd.s32 $0xFFFEC000  }
0xf8: {  	_ =	sfence.sel $0x180000  }
0xf9: {  	[bflag:$0x0] =	sbarrier.arrive $0xFFFF  }
0xfa: {  	p0 =	sne.s32 s0, $0x0;
	_ =	strace $0x90000047  }
0xfb: {  	s0 =	sadd.s32 @!p0 $0x100000, s1;
	[bflag:$0x2] =	sbarrier.arrive $0xFFFF  }
0xfc: {  	[sflag:s0] =	ssyncadd.tile.s32 @!p0 $0x1;
	_ =	shalt  }
.Lfunc_end2:
_tile_overlayer_lowered:
.L_overlay_start_2:
0xfd: {  	(tag) =	ssettag $0x2  }
0xfe: {  	s0 =	rddreg [dreg:$0x0];
	s2 =	stileid.u32  }
0xff: {  	s1 =	rddreg [dreg:$0x1];
	p0 =	sne.s32 s2, $0x0  }
0x100: {  	s3 =	rddreg [dreg:$0x2];
	[bflag:$0x3] =	sbarrier.arrive $0xFFFF;
	s2 =	simm.s32 @!p0 $0x1C02  }
0x101: {  	[timem:s3], [sflag:s2] =	dma.local @!p0 [hbm:s0], s1  }
0x102: {  	s0 =	simm.s32 @!p0 $0x2  }
0x103: {  	_ =	swait.ge @!p0 [sflag:s0], s1  }
0x104: {  	s1 =	ssub.s32 @!p0 $0x0, s1;
	[sflag:s0] =	ssyncset.done @!p0 $0x0  }
0x105: {  	[sflag:s0] =	ssyncadd.s32 @!p0 s1  }
0x106: {  	[bflag:$0x3] =	sbarrier.arrive $0xFFFF  }
0x107: {  	_ =	shalt  }

</sc_bundles>
